<compile_context>
chip_gen: v7x
topology: tpu7x:2x2x1
jax: 0.10.2.dev20260603
libtpu: 0.0.44.dev20260713+nightly
codegen_flags: <defaults>
</compile_context>

<pallas_src>
import functools

import jax
import jax.numpy as jnp
from jax import lax
from jax.experimental import pallas as pl
from jax.experimental.pallas import tpu as pltpu
from jax.experimental.pallas import tpu_sc as plsc

N_NODES = 10000
N_EDGES = 320000
D = 128

NC = 2
NS = 16
NW = NC * NS
EPT = N_EDGES // NW
CHUNK = 72
NCH = EPT // CHUNK
TAIL = EPT - NCH * CHUNK
NBUF = 3
NSTEP = (NCH - 3) // NBUF
R_ACC = 10240
RPT = R_ACC // NS


def _sc_segment_sum(x, edge_r, z2d, z1d, ones_h):
    mesh = plsc.VectorSubcoreMesh(core_axis_name="c", subcore_axis_name="s")

    @functools.partial(
        pl.kernel,
        out_type=[
            jax.ShapeDtypeStruct((NC, R_ACC, D), jnp.float32),
            jax.ShapeDtypeStruct((NC * R_ACC,), jnp.float32),
        ],
        mesh=mesh,
        scratch_types=[
            pltpu.VMEM((EPT,), jnp.int32),
            pltpu.VMEM((EPT,), jnp.int32),
            pltpu.VMEM((NBUF, CHUNK, D), jnp.float32),
            pltpu.VMEM((CHUNK,), jnp.float32),
            pltpu.VMEM_SHARED((R_ACC, D), jnp.float32),
            pltpu.VMEM_SHARED((R_ACC,), jnp.float32),
            pltpu.SemaphoreType.DMA((NBUF,)),
            pltpu.SemaphoreType.DMA((NBUF,)),
            pltpu.SemaphoreType.DMA((NBUF,)),
        ],
    )
    def k(x_hbm, edge_hbm, z2_hbm, z1_hbm, ones_hbm,
          sum_out, cnt_out, src_v, dst_v, rows_v, ones_v, acc_sh, cnt_sh,
          gsem, ssem, csem):
        c = lax.axis_index("c")
        s = lax.axis_index("s")
        wid = s * NC + c

        pltpu.sync_copy(z2_hbm, acc_sh.at[pl.ds(s * RPT, RPT)])
        pltpu.sync_copy(z1_hbm.at[pl.ds(s * RPT, RPT)],
                        cnt_sh.at[pl.ds(s * RPT, RPT)])
        pltpu.sync_copy(ones_hbm, ones_v)
        pltpu.sync_copy(edge_hbm.at[pl.ds(wid * EPT, EPT)], src_v)
        pltpu.sync_copy(edge_hbm.at[pl.ds(N_EDGES + wid * EPT, EPT)], dst_v)
        plsc.subcore_barrier()

        def sidx(i, n=CHUNK):
            return src_v.at[pl.ds(i * CHUNK, n)]

        def didx(i, n=CHUNK):
            return dst_v.at[pl.ds(i * CHUNK, n)]

        def fire_gather(i, b):
            pltpu.async_copy(x_hbm.at[sidx(i)], rows_v.at[b], gsem.at[b])

        def wait_gather(i, b):
            pltpu.make_async_copy(x_hbm.at[sidx(i)], rows_v.at[b],
                                  gsem.at[b]).wait()

        def fire_scatter(i, b):
            pltpu.async_copy(rows_v.at[b], acc_sh.at[didx(i)],
                             ssem.at[b], add=True)
            pltpu.async_copy(ones_v, cnt_sh.at[didx(i)],
                             csem.at[0], add=True)

        def wait_scatter(i, b):
            pltpu.make_async_copy(rows_v.at[b], acc_sh.at[didx(i)],
                                  ssem.at[b]).wait()

        for b in range(NBUF):
            fire_gather(b, b)
        wait_gather(0, 0)
        fire_scatter(0, 0)

        def step(kk, carry):
            for b in range(NBUF):
                i = kk * NBUF + b + 1
                wait_gather(i, (b + 1) % NBUF)
                fire_scatter(i, (b + 1) % NBUF)
                wait_scatter(i - 1, b)
                fire_gather(i + NBUF - 1, b)
            return carry

        lax.fori_loop(0, NSTEP, step, 0)
        for i in range(NSTEP * NBUF + 1, NCH):
            wait_gather(i, i % NBUF)
            fire_scatter(i, i % NBUF)
            wait_scatter(i - 1, (i - 1) % NBUF)
        wait_scatter(NCH - 1, (NCH - 1) % NBUF)
        tb = NCH % NBUF
        pltpu.async_copy(x_hbm.at[sidx(NCH, TAIL)],
                         rows_v.at[tb, pl.ds(0, TAIL)], gsem.at[tb])
        pltpu.make_async_copy(x_hbm.at[sidx(NCH, TAIL)],
                              rows_v.at[tb, pl.ds(0, TAIL)],
                              gsem.at[tb]).wait()
        pltpu.sync_copy(rows_v.at[tb, pl.ds(0, TAIL)],
                        acc_sh.at[didx(NCH, TAIL)], add=True)
        pltpu.sync_copy(ones_v.at[pl.ds(0, TAIL)],
                        cnt_sh.at[didx(NCH, TAIL)], add=True)

        def drain(_, carry):
            pltpu.make_async_copy(ones_v, cnt_sh.at[didx(0)],
                                  csem.at[0]).wait()
            return carry

        lax.fori_loop(0, NCH, drain, 0)
        plsc.subcore_barrier()

        pltpu.sync_copy(acc_sh.at[pl.ds(s * RPT, RPT)],
                        sum_out.at[c, pl.ds(s * RPT, RPT)])
        pltpu.sync_copy(cnt_sh.at[pl.ds(s * RPT, RPT)],
                        cnt_out.at[pl.ds(c * R_ACC + s * RPT, RPT)])

    return k(x, edge_r, z2d, z1d, ones_h)


def _tc_finish_body(p_ref, c_ref, x_ref, wl_ref, bl_ref, wr_ref, o_ref):
    summed = p_ref[0] + p_ref[1]
    cnt16 = c_ref[0] + c_ref[1]
    cnt_t = cnt16.T
    cnt = jnp.concatenate(
        [cnt_t[:, r:r + 1] for r in range(cnt_t.shape[1])], axis=0)
    mean = summed / jnp.maximum(cnt, 1.0)
    out = lax.dot_general(mean, wl_ref[...], (((1,), (1,)), ((), ())),
                          preferred_element_type=jnp.float32)
    out = out + lax.dot_general(x_ref[...], wr_ref[...],
                                (((1,), (1,)), ((), ())),
                                preferred_element_type=jnp.float32)
    out = out + bl_ref[...]
    nrm = jnp.sqrt(jnp.sum(out * out, axis=-1, keepdims=True))
    o_ref[...] = out / jnp.maximum(nrm, 1e-12)


def _tc_finish(partial_sum, partial_cnt, x, W_l, b_l, W_r):
    RB = 2048
    grid = (pl.cdiv(N_NODES, RB),)
    return pl.pallas_call(
        _tc_finish_body,
        grid=grid,
        in_specs=[
            pl.BlockSpec((NC, RB, D), lambda i: (0, i, 0)),
            pl.BlockSpec((NC, RB // D, D), lambda i: (0, i, 0)),
            pl.BlockSpec((RB, D), lambda i: (i, 0)),
            pl.BlockSpec((D, D), lambda i: (0, 0)),
            pl.BlockSpec((1, D), lambda i: (0, 0)),
            pl.BlockSpec((D, D), lambda i: (0, 0)),
        ],
        out_specs=pl.BlockSpec((RB, D), lambda i: (i, 0)),
        out_shape=jax.ShapeDtypeStruct((N_NODES, D), jnp.float32),
    )(partial_sum, partial_cnt, x, W_l, b_l, W_r)


def kernel(x, edge_index, W_l, b_l, W_r):
    edge_r = edge_index.astype(jnp.int32).reshape(2 * N_EDGES)
    z2d = jnp.zeros((RPT, D), jnp.float32)
    z1d = jnp.zeros((R_ACC,), jnp.float32)
    ones_h = jnp.ones((CHUNK,), jnp.float32)

    partial_sum, partial_cnt = _sc_segment_sum(x, edge_r, z2d, z1d, ones_h)
    return _tc_finish(partial_sum, partial_cnt.reshape(NC, R_ACC // D, D), x,
                      W_l, b_l.reshape(1, D), W_r)

# --- scband reference (transcript-rebuilt; emitter-appended) ---
"""Pipeline reference for scband-graph-sage-layer-38010460569664 (READ-ONLY COPY).

The authoritative reference and input builder live on the scoring server;
editing this copy changes nothing except your own understanding.
"""

import jax, jax.numpy as jnp
import numpy as np

N_NODES = 10000
N_EDGES = 320000
D_IN = 128
D_OUT = 128

def setup_inputs(seed: int = 0) -> dict:
    key = jax.random.key(seed)
    k_x, k_ei, k_wl, k_bl, k_wr = jax.random.split(key, 5)
    x = jax.random.normal(k_x, (N_NODES, D_IN), dtype=jnp.float32)
    edge_index = jax.random.randint(k_ei, (2, N_EDGES), 0, N_NODES, dtype=jnp.int64)
    # SAGEConv params: lin_l (applied to aggregated neighbors, with bias), lin_r (applied to root, no bias)
    bound_l = 1.0 / np.sqrt(D_IN)
    W_l = jax.random.uniform(k_wl, (D_OUT, D_IN), minval=-bound_l, maxval=bound_l, dtype=jnp.float32)
    b_l = jax.random.uniform(k_bl, (D_OUT,), minval=-bound_l, maxval=bound_l, dtype=jnp.float32)
    W_r = jax.random.uniform(k_wr, (D_OUT, D_IN), minval=-bound_l, maxval=bound_l, dtype=jnp.float32)
    return {"x": x, "edge_index": edge_index, "W_l": W_l, "b_l": b_l, "W_r": W_r}

def reference(x, edge_index, W_l, b_l, W_r):
    src = edge_index[0]
    dst = edge_index[1]
    # message: gather source node features
    msgs = jnp.take(x, src, axis=0)
    # mean aggregation at destination nodes (scatter-add + count)
    summed = jax.ops.segment_sum(msgs, dst, num_segments=N_NODES)
    counts = jax.ops.segment_sum(jnp.ones((msgs.shape[0],), dtype=x.dtype), dst, num_segments=N_NODES)
    mean_aggr = summed / jnp.clip(counts, 1.0, None)[:, None]
    # SAGEConv: lin_l(aggr) + lin_r(x_root)
    out = mean_aggr @ W_l.T + b_l + x @ W_r.T
    # normalize=True -> L2 normalize along feature dim (eps=1e-12 like F.normalize)
    norm = jnp.linalg.norm(out, axis=-1, keepdims=True)
    out = out / jnp.maximum(norm, 1e-12)
    return out

if __name__ == "__main__":
    import jax
    _d = setup_inputs()
    print(jax.jit(kernel)(*tuple(_d.values())))

</pallas_src>

<mosaic_0001>
#map = affine_map<(d0, d1) -> (0, 0)>
#map1 = affine_map<(d0, d1) -> (0)>
#map2 = affine_map<(d0, d1) -> (0, 0, 0)>
module attributes {stable_mosaic.version = 14 : i64} {
  func.func @k(%arg0: i32, %arg1: i32, %arg2: memref<10000x128xf32, #tpu.memory_space<hbm>>, %arg3: memref<640000xi32, #tpu.memory_space<hbm>>, %arg4: memref<640x128xf32, #tpu.memory_space<hbm>>, %arg5: memref<10240xf32, #tpu.memory_space<hbm>>, %arg6: memref<72xf32, #tpu.memory_space<hbm>>, %arg7: memref<2x10240x128xf32, #tpu.memory_space<hbm>>, %arg8: memref<20480xf32, #tpu.memory_space<hbm>>, %arg9: memref<10000xi32, #tpu.memory_space<vmem>>, %arg10: memref<10000xi32, #tpu.memory_space<vmem>>, %arg11: memref<3x72x128xf32, #tpu.memory_space<vmem>>, %arg12: memref<72xf32, #tpu.memory_space<vmem>>, %arg13: memref<10240x128xf32, #tpu.memory_space<vmem_shared>>, %arg14: memref<10240xf32, #tpu.memory_space<vmem_shared>>, %arg15: memref<3x!tpu.dma_semaphore, #tpu.memory_space<semaphore_mem>>, %arg16: memref<3x!tpu.dma_semaphore, #tpu.memory_space<semaphore_mem>>, %arg17: memref<3x!tpu.dma_semaphore, #tpu.memory_space<semaphore_mem>>) attributes {dimension_semantics = [#tpu.dimension_semantics<core_parallel>, #tpu.dimension_semantics<subcore_parallel>], iteration_bounds = array<i64: 2, 16>, scalar_prefetch = 0 : i64, scratch_operands = 9 : i64, tpu.core_type = #tpu.core_type<sc_vector_subcore>, window_params = [{transform_indices = #map}, {transform_indices = #map1}, {transform_indices = #map}, {transform_indices = #map1}, {transform_indices = #map1}, {transform_indices = #map2}, {transform_indices = #map1}]} {
    %mul3A = arith.constant 2 : i32
    %mul3A_0 = arith.muli %arg1, %mul3A : i32
    %add3A = arith.addi %mul3A_0, %arg0 : i32
    %mul3A_1 = arith.constant 640 : i32
    %mul3A_2 = arith.muli %arg1, %mul3A_1 : i32
    "tpu.region"() ({
      %run_scoped3A_237 = tpu.sem_alloc : memref<!tpu.dma_semaphore, #tpu.memory_space<semaphore_mem>>
      %dma_start3A_238 = arith.constant 0 : i32
      %dma_start3A_239 = tpu.memref_slice %arg13[%mul3A_2, %dma_start3A_238] : memref<10240x128xf32, #tpu.memory_space<vmem_shared>> -> memref<640x128xf32, #tpu.memory_space<vmem_shared>>
      tpu.enqueue_dma source(%arg4 : memref<640x128xf32, #tpu.memory_space<hbm>>) target(%dma_start3A_239 : memref<640x128xf32, #tpu.memory_space<vmem_shared>>) target_semaphore(%run_scoped3A_237 : memref<!tpu.dma_semaphore, #tpu.memory_space<semaphore_mem>>)
      %dma_wait3A_240 = arith.constant 0 : i32
      %dma_wait3A_241 = tpu.memref_slice %arg13[%mul3A_2, %dma_wait3A_240] : memref<10240x128xf32, #tpu.memory_space<vmem_shared>> -> memref<640x128xf32, #tpu.memory_space<vmem_shared>>
      tpu.wait_dma2 semaphore(%run_scoped3A_237 : memref<!tpu.dma_semaphore, #tpu.memory_space<semaphore_mem>>) src(%arg4 : memref<640x128xf32, #tpu.memory_space<hbm>>) dst(%dma_wait3A_241 : memref<640x128xf32, #tpu.memory_space<vmem_shared>>)
      tpu.yield
    }) : () -> ()
    %mul3A_3 = arith.constant 640 : i32
    %mul3A_4 = arith.muli %arg1, %mul3A_3 : i32
    %mul3A_5 = arith.constant 640 : i32
    %mul3A_6 = arith.muli %arg1, %mul3A_5 : i32
    "tpu.region"() ({
      %run_scoped3A_237 = tpu.sem_alloc : memref<!tpu.dma_semaphore, #tpu.memory_space<semaphore_mem>>
      %dma_start3A_238 = tpu.memref_slice %arg14[%mul3A_6] : memref<10240xf32, #tpu.memory_space<vmem_shared>> -> memref<640xf32, #tpu.memory_space<vmem_shared>>
      %dma_start3A_239 = tpu.memref_slice %arg5[%mul3A_4] : memref<10240xf32, #tpu.memory_space<hbm>> -> memref<640xf32, #tpu.memory_space<hbm>>
      tpu.enqueue_dma source(%dma_start3A_239 : memref<640xf32, #tpu.memory_space<hbm>>) target(%dma_start3A_238 : memref<640xf32, #tpu.memory_space<vmem_shared>>) target_semaphore(%run_scoped3A_237 : memref<!tpu.dma_semaphore, #tpu.memory_space<semaphore_mem>>)
      %dma_wait3A_240 = tpu.memref_slice %arg14[%mul3A_6] : memref<10240xf32, #tpu.memory_space<vmem_shared>> -> memref<640xf32, #tpu.memory_space<vmem_shared>>
      %dma_wait3A_241 = tpu.memref_slice %arg5[%mul3A_4] : memref<10240xf32, #tpu.memory_space<hbm>> -> memref<640xf32, #tpu.memory_space<hbm>>
      tpu.wait_dma2 semaphore(%run_scoped3A_237 : memref<!tpu.dma_semaphore, #tpu.memory_space<semaphore_mem>>) src(%dma_wait3A_241 : memref<640xf32, #tpu.memory_space<hbm>>) dst(%dma_wait3A_240 : memref<640xf32, #tpu.memory_space<vmem_shared>>)
      tpu.yield
    }) : () -> ()
    "tpu.region"() ({
      %run_scoped3A_237 = tpu.sem_alloc : memref<!tpu.dma_semaphore, #tpu.memory_space<semaphore_mem>>
      tpu.enqueue_dma source(%arg6 : memref<72xf32, #tpu.memory_space<hbm>>) target(%arg12 : memref<72xf32, #tpu.memory_space<vmem>>) target_semaphore(%run_scoped3A_237 : memref<!tpu.dma_semaphore, #tpu.memory_space<semaphore_mem>>)
      tpu.wait_dma2 semaphore(%run_scoped3A_237 : memref<!tpu.dma_semaphore, #tpu.memory_space<semaphore_mem>>) src(%arg6 : memref<72xf32, #tpu.memory_space<hbm>>) dst(%arg12 : memref<72xf32, #tpu.memory_space<vmem>>)
      tpu.yield
    }) : () -> ()
    %mul3A_7 = arith.constant 10000 : i32
    %mul3A_8 = arith.muli %add3A, %mul3A_7 : i32
    "tpu.region"() ({
      %run_scoped3A_237 = tpu.sem_alloc : memref<!tpu.dma_semaphore, #tpu.memory_space<semaphore_mem>>
      %dma_start3A_238 = tpu.memref_slice %arg3[%mul3A_8] : memref<640000xi32, #tpu.memory_space<hbm>> -> memref<10000xi32, #tpu.memory_space<hbm>>
      %dma_start3A_239 = tpu.memref_slice %arg3[%mul3A_8] : memref<640000xi32, #tpu.memory_space<hbm>> -> memref<10000xi32, #tpu.memory_space<hbm>>
      tpu.enqueue_dma source(%dma_start3A_239 : memref<10000xi32, #tpu.memory_space<hbm>>) target(%arg9 : memref<10000xi32, #tpu.memory_space<vmem>>) target_semaphore(%run_scoped3A_237 : memref<!tpu.dma_semaphore, #tpu.memory_space<semaphore_mem>>)
      %dma_wait3A_240 = tpu.memref_slice %arg3[%mul3A_8] : memref<640000xi32, #tpu.memory_space<hbm>> -> memref<10000xi32, #tpu.memory_space<hbm>>
      %dma_wait3A_241 = tpu.memref_slice %arg3[%mul3A_8] : memref<640000xi32, #tpu.memory_space<hbm>> -> memref<10000xi32, #tpu.memory_space<hbm>>
      tpu.wait_dma2 semaphore(%run_scoped3A_237 : memref<!tpu.dma_semaphore, #tpu.memory_space<semaphore_mem>>) src(%dma_wait3A_241 : memref<10000xi32, #tpu.memory_space<hbm>>) dst(%arg9 : memref<10000xi32, #tpu.memory_space<vmem>>)
      tpu.yield
    }) : () -> ()
    %mul3A_9 = arith.constant 10000 : i32
    %mul3A_10 = arith.muli %add3A, %mul3A_9 : i32
    %add3A_11 = arith.constant 320000 : i32
    %add3A_12 = arith.addi %add3A_11, %mul3A_10 : i32
    "tpu.region"() ({
      %run_scoped3A_237 = tpu.sem_alloc : memref<!tpu.dma_semaphore, #tpu.memory_space<semaphore_mem>>
      %dma_start3A_238 = tpu.memref_slice %arg3[%add3A_12] : memref<640000xi32, #tpu.memory_space<hbm>> -> memref<10000xi32, #tpu.memory_space<hbm>>
      %dma_start3A_239 = tpu.memref_slice %arg3[%add3A_12] : memref<640000xi32, #tpu.memory_space<hbm>> -> memref<10000xi32, #tpu.memory_space<hbm>>
      tpu.enqueue_dma source(%dma_start3A_239 : memref<10000xi32, #tpu.memory_space<hbm>>) target(%arg10 : memref<10000xi32, #tpu.memory_space<vmem>>) target_semaphore(%run_scoped3A_237 : memref<!tpu.dma_semaphore, #tpu.memory_space<semaphore_mem>>)
      %dma_wait3A_240 = tpu.memref_slice %arg3[%add3A_12] : memref<640000xi32, #tpu.memory_space<hbm>> -> memref<10000xi32, #tpu.memory_space<hbm>>
      %dma_wait3A_241 = tpu.memref_slice %arg3[%add3A_12] : memref<640000xi32, #tpu.memory_space<hbm>> -> memref<10000xi32, #tpu.memory_space<hbm>>
      tpu.wait_dma2 semaphore(%run_scoped3A_237 : memref<!tpu.dma_semaphore, #tpu.memory_space<semaphore_mem>>) src(%dma_wait3A_241 : memref<10000xi32, #tpu.memory_space<hbm>>) dst(%arg10 : memref<10000xi32, #tpu.memory_space<vmem>>)
      tpu.yield
    }) : () -> ()
    %barrier3A = arith.constant 0 : index
    tpu.barrier barrier_id(%barrier3A)
    %dma_start3A = arith.constant 0 : i32
    %dma_start3A_13 = arith.constant 0 : i32
    %dma_start3A_14 = arith.constant 0 : i32
    %dma_start3A_15 = arith.constant 0 : i32
    %dma_start3A_16 = tpu.memref_slice %arg11[%dma_start3A, %dma_start3A_14, %dma_start3A_15] : memref<3x72x128xf32, #tpu.memory_space<vmem>> -> memref<1x72x128xf32, #tpu.memory_space<vmem>>
    %dma_start3A_17 = tpu.memref_squeeze %dma_start3A_16 : memref<1x72x128xf32, #tpu.memory_space<vmem>> -> memref<72x128xf32, #tpu.memory_space<vmem>>
    %dma_start3A_18 = arith.constant 0 : i32
    %dma_start3A_19 = tpu.memref_slice %arg9[%dma_start3A_18] : memref<10000xi32, #tpu.memory_space<vmem>> -> memref<72xi32, #tpu.memory_space<vmem>>
    %dma_start3A_20 = arith.constant 0 : i32
    %dma_start3A_21 = arith.constant 0 : i32
    %dma_start3A_22 = tpu.memref_slice %arg2[%dma_start3A_20, %dma_start3A_21] : memref<10000x128xf32, #tpu.memory_space<hbm>> -> memref<10000x128xf32, #tpu.memory_space<hbm>>
    %dma_start3A_23 = tpu.memref_slice %arg15[%dma_start3A_13] : memref<3x!tpu.dma_semaphore, #tpu.memory_space<semaphore_mem>> -> memref<1x!tpu.dma_semaphore, #tpu.memory_space<semaphore_mem>>
    %dma_start3A_24 = tpu.memref_squeeze %dma_start3A_23 : memref<1x!tpu.dma_semaphore, #tpu.memory_space<semaphore_mem>> -> memref<!tpu.dma_semaphore, #tpu.memory_space<semaphore_mem>>
    tpu.enqueue_indirect_dma source(%dma_start3A_22 : memref<10000x128xf32, #tpu.memory_space<hbm>>) target(%dma_start3A_17 : memref<72x128xf32, #tpu.memory_space<vmem>>) offsets(%dma_start3A_19 : memref<72xi32, #tpu.memory_space<vmem>>) semaphore(%dma_start3A_24 : memref<!tpu.dma_semaphore, #tpu.memory_space<semaphore_mem>>)
    %dma_start3A_25 = arith.constant 1 : i32
    %dma_start3A_26 = arith.constant 1 : i32
    %dma_start3A_27 = arith.constant 0 : i32
    %dma_start3A_28 = arith.constant 0 : i32
    %dma_start3A_29 = tpu.memref_slice %arg11[%dma_start3A_25, %dma_start3A_27, %dma_start3A_28] : memref<3x72x128xf32, #tpu.memory_space<vmem>> -> memref<1x72x128xf32, #tpu.memory_space<vmem>>
    %dma_start3A_30 = tpu.memref_squeeze %dma_start3A_29 : memref<1x72x128xf32, #tpu.memory_space<vmem>> -> memref<72x128xf32, #tpu.memory_space<vmem>>
    %dma_start3A_31 = arith.constant 72 : i32
    %dma_start3A_32 = tpu.memref_slice %arg9[%dma_start3A_31] : memref<10000xi32, #tpu.memory_space<vmem>> -> memref<72xi32, #tpu.memory_space<vmem>>
    %dma_start3A_33 = arith.constant 0 : i32
    %dma_start3A_34 = arith.constant 0 : i32
    %dma_start3A_35 = tpu.memref_slice %arg2[%dma_start3A_33, %dma_start3A_34] : memref<10000x128xf32, #tpu.memory_space<hbm>> -> memref<10000x128xf32, #tpu.memory_space<hbm>>
    %dma_start3A_36 = tpu.memref_slice %arg15[%dma_start3A_26] : memref<3x!tpu.dma_semaphore, #tpu.memory_space<semaphore_mem>> -> memref<1x!tpu.dma_semaphore, #tpu.memory_space<semaphore_mem>>
    %dma_start3A_37 = tpu.memref_squeeze %dma_start3A_36 : memref<1x!tpu.dma_semaphore, #tpu.memory_space<semaphore_mem>> -> memref<!tpu.dma_semaphore, #tpu.memory_space<semaphore_mem>>
    tpu.enqueue_indirect_dma source(%dma_start3A_35 : memref<10000x128xf32, #tpu.memory_space<hbm>>) target(%dma_start3A_30 : memref<72x128xf32, #tpu.memory_space<vmem>>) offsets(%dma_start3A_32 : memref<72xi32, #tpu.memory_space<vmem>>) semaphore(%dma_start3A_37 : memref<!tpu.dma_semaphore, #tpu.memory_space<semaphore_mem>>)
    %dma_start3A_38 = arith.constant 2 : i32
    %dma_start3A_39 = arith.constant 2 : i32
    %dma_start3A_40 = arith.constant 0 : i32
    %dma_start3A_41 = arith.constant 0 : i32
    %dma_start3A_42 = tpu.memref_slice %arg11[%dma_start3A_38, %dma_start3A_40, %dma_start3A_41] : memref<3x72x128xf32, #tpu.memory_space<vmem>> -> memref<1x72x128xf32, #tpu.memory_space<vmem>>
    %dma_start3A_43 = tpu.memref_squeeze %dma_start3A_42 : memref<1x72x128xf32, #tpu.memory_space<vmem>> -> memref<72x128xf32, #tpu.memory_space<vmem>>
    %dma_start3A_44 = arith.constant 144 : i32
    %dma_start3A_45 = tpu.memref_slice %arg9[%dma_start3A_44] : memref<10000xi32, #tpu.memory_space<vmem>> -> memref<72xi32, #tpu.memory_space<vmem>>
    %dma_start3A_46 = arith.constant 0 : i32
    %dma_start3A_47 = arith.constant 0 : i32
    %dma_start3A_48 = tpu.memref_slice %arg2[%dma_start3A_46, %dma_start3A_47] : memref<10000x128xf32, #tpu.memory_space<hbm>> -> memref<10000x128xf32, #tpu.memory_space<hbm>>
    %dma_start3A_49 = tpu.memref_slice %arg15[%dma_start3A_39] : memref<3x!tpu.dma_semaphore, #tpu.memory_space<semaphore_mem>> -> memref<1x!tpu.dma_semaphore, #tpu.memory_space<semaphore_mem>>
    %dma_start3A_50 = tpu.memref_squeeze %dma_start3A_49 : memref<1x!tpu.dma_semaphore, #tpu.memory_space<semaphore_mem>> -> memref<!tpu.dma_semaphore, #tpu.memory_space<semaphore_mem>>
    tpu.enqueue_indirect_dma source(%dma_start3A_48 : memref<10000x128xf32, #tpu.memory_space<hbm>>) target(%dma_start3A_43 : memref<72x128xf32, #tpu.memory_space<vmem>>) offsets(%dma_start3A_45 : memref<72xi32, #tpu.memory_space<vmem>>) semaphore(%dma_start3A_50 : memref<!tpu.dma_semaphore, #tpu.memory_space<semaphore_mem>>)
    %dma_wait3A = arith.constant 0 : i32
    %dma_wait3A_51 = arith.constant 0 : i32
    %dma_wait3A_52 = arith.constant 0 : i32
    %dma_wait3A_53 = arith.constant 0 : i32
    %dma_wait3A_54 = tpu.memref_slice %arg11[%dma_wait3A, %dma_wait3A_52, %dma_wait3A_53] : memref<3x72x128xf32, #tpu.memory_space<vmem>> -> memref<1x72x128xf32, #tpu.memory_space<vmem>>
    %dma_wait3A_55 = tpu.memref_squeeze %dma_wait3A_54 : memref<1x72x128xf32, #tpu.memory_space<vmem>> -> memref<72x128xf32, #tpu.memory_space<vmem>>
    %dma_wait3A_56 = arith.constant 0 : i32
    %dma_wait3A_57 = tpu.memref_slice %arg9[%dma_wait3A_56] : memref<10000xi32, #tpu.memory_space<vmem>> -> memref<72xi32, #tpu.memory_space<vmem>>
    %dma_wait3A_58 = arith.constant 0 : i32
    %dma_wait3A_59 = arith.constant 0 : i32
    %dma_wait3A_60 = tpu.memref_slice %arg2[%dma_wait3A_58, %dma_wait3A_59] : memref<10000x128xf32, #tpu.memory_space<hbm>> -> memref<10000x128xf32, #tpu.memory_space<hbm>>
    %dma_wait3A_61 = tpu.memref_slice %arg15[%dma_wait3A_51] : memref<3x!tpu.dma_semaphore, #tpu.memory_space<semaphore_mem>> -> memref<1x!tpu.dma_semaphore, #tpu.memory_space<semaphore_mem>>
    %dma_wait3A_62 = tpu.memref_squeeze %dma_wait3A_61 : memref<1x!tpu.dma_semaphore, #tpu.memory_space<semaphore_mem>> -> memref<!tpu.dma_semaphore, #tpu.memory_space<semaphore_mem>>
    tpu.wait_indirect_dma semaphore(%dma_wait3A_62 : memref<!tpu.dma_semaphore, #tpu.memory_space<semaphore_mem>>) src(%dma_wait3A_60 : memref<10000x128xf32, #tpu.memory_space<hbm>>) dst(%dma_wait3A_55 : memref<72x128xf32, #tpu.memory_space<vmem>>)
    %dma_start3A_63 = arith.constant 0 : i32
    %dma_start3A_64 = arith.constant 0 : i32
    %dma_start3A_65 = arith.constant 0 : i32
    %dma_start3A_66 = arith.constant 0 : i32
    %dma_start3A_67 = tpu.memref_slice %arg11[%dma_start3A_63, %dma_start3A_65, %dma_start3A_66] : memref<3x72x128xf32, #tpu.memory_space<vmem>> -> memref<1x72x128xf32, #tpu.memory_space<vmem>>
    %dma_start3A_68 = tpu.memref_squeeze %dma_start3A_67 : memref<1x72x128xf32, #tpu.memory_space<vmem>> -> memref<72x128xf32, #tpu.memory_space<vmem>>
    %dma_start3A_69 = arith.constant 0 : i32
    %dma_start3A_70 = tpu.memref_slice %arg10[%dma_start3A_69] : memref<10000xi32, #tpu.memory_space<vmem>> -> memref<72xi32, #tpu.memory_space<vmem>>
    %dma_start3A_71 = arith.constant 0 : i32
    %dma_start3A_72 = arith.constant 0 : i32
    %dma_start3A_73 = tpu.memref_slice %arg13[%dma_start3A_71, %dma_start3A_72] : memref<10240x128xf32, #tpu.memory_space<vmem_shared>> -> memref<10240x128xf32, #tpu.memory_space<vmem_shared>>
    %dma_start3A_74 = tpu.memref_slice %arg16[%dma_start3A_64] : memref<3x!tpu.dma_semaphore, #tpu.memory_space<semaphore_mem>> -> memref<1x!tpu.dma_semaphore, #tpu.memory_space<semaphore_mem>>
    %dma_start3A_75 = tpu.memref_squeeze %dma_start3A_74 : memref<1x!tpu.dma_semaphore, #tpu.memory_space<semaphore_mem>> -> memref<!tpu.dma_semaphore, #tpu.memory_space<semaphore_mem>>
    tpu.enqueue_indirect_dma source(%dma_start3A_68 : memref<72x128xf32, #tpu.memory_space<vmem>>) target(%dma_start3A_73 : memref<10240x128xf32, #tpu.memory_space<vmem_shared>>) offsets(%dma_start3A_70 : memref<72xi32, #tpu.memory_space<vmem>>) semaphore(%dma_start3A_75 : memref<!tpu.dma_semaphore, #tpu.memory_space<semaphore_mem>>) {add = true}
    %dma_start3A_76 = arith.constant 0 : i32
    %dma_start3A_77 = arith.constant 0 : i32
    %dma_start3A_78 = tpu.memref_slice %arg10[%dma_start3A_77] : memref<10000xi32, #tpu.memory_space<vmem>> -> memref<72xi32, #tpu.memory_space<vmem>>
    %dma_start3A_79 = arith.constant 0 : i32
    %dma_start3A_80 = tpu.memref_slice %arg14[%dma_start3A_79] : memref<10240xf32, #tpu.memory_space<vmem_shared>> -> memref<10240xf32, #tpu.memory_space<vmem_shared>>
    %dma_start3A_81 = tpu.memref_slice %arg17[%dma_start3A_76] : memref<3x!tpu.dma_semaphore, #tpu.memory_space<semaphore_mem>> -> memref<1x!tpu.dma_semaphore, #tpu.memory_space<semaphore_mem>>
    %dma_start3A_82 = tpu.memref_squeeze %dma_start3A_81 : memref<1x!tpu.dma_semaphore, #tpu.memory_space<semaphore_mem>> -> memref<!tpu.dma_semaphore, #tpu.memory_space<semaphore_mem>>
    tpu.enqueue_indirect_dma source(%arg12 : memref<72xf32, #tpu.memory_space<vmem>>) target(%dma_start3A_80 : memref<10240xf32, #tpu.memory_space<vmem_shared>>) offsets(%dma_start3A_78 : memref<72xi32, #tpu.memory_space<vmem>>) semaphore(%dma_start3A_82 : memref<!tpu.dma_semaphore, #tpu.memory_space<semaphore_mem>>) {add = true}
    %scan3A = arith.constant 0 : i32
    %scan3A_83 = arith.constant 0 : i32
    %scan3A_84 = arith.constant 45 : i32
    %scan3A_85 = arith.addi %scan3A_83, %scan3A_84 : i32
    %scan3A_86 = arith.constant 1 : i32
    scf.for %scan3A_237 = %scan3A_83 to %scan3A_85 step %scan3A_86  : i32 {
      %mul3A_238 = arith.constant 3 : i32
      %mul3A_239 = arith.muli %scan3A_237, %mul3A_238 : i32
      %add3A_240 = arith.constant 0 : i32
      %add3A_241 = arith.addi %mul3A_239, %add3A_240 : i32
      %add3A_242 = arith.constant 1 : i32
      %add3A_243 = arith.addi %add3A_241, %add3A_242 : i32
      %mul3A_244 = arith.constant 72 : i32
      %mul3A_245 = arith.muli %add3A_243, %mul3A_244 : i32
      %dma_wait3A_246 = arith.constant 1 : i32
      %dma_wait3A_247 = arith.constant 1 : i32
      %dma_wait3A_248 = arith.constant 0 : i32
      %dma_wait3A_249 = arith.constant 0 : i32
      %dma_wait3A_250 = tpu.memref_slice %arg11[%dma_wait3A_246, %dma_wait3A_248, %dma_wait3A_249] : memref<3x72x128xf32, #tpu.memory_space<vmem>> -> memref<1x72x128xf32, #tpu.memory_space<vmem>>
      %dma_wait3A_251 = tpu.memref_squeeze %dma_wait3A_250 : memref<1x72x128xf32, #tpu.memory_space<vmem>> -> memref<72x128xf32, #tpu.memory_space<vmem>>
      %dma_wait3A_252 = tpu.memref_slice %arg9[%mul3A_245] : memref<10000xi32, #tpu.memory_space<vmem>> -> memref<72xi32, #tpu.memory_space<vmem>>
      %dma_wait3A_253 = arith.constant 0 : i32
      %dma_wait3A_254 = arith.constant 0 : i32
      %dma_wait3A_255 = tpu.memref_slice %arg2[%dma_wait3A_253, %dma_wait3A_254] : memref<10000x128xf32, #tpu.memory_space<hbm>> -> memref<10000x128xf32, #tpu.memory_space<hbm>>
      %dma_wait3A_256 = tpu.memref_slice %arg15[%dma_wait3A_247] : memref<3x!tpu.dma_semaphore, #tpu.memory_space<semaphore_mem>> -> memref<1x!tpu.dma_semaphore, #tpu.memory_space<semaphore_mem>>
      %dma_wait3A_257 = tpu.memref_squeeze %dma_wait3A_256 : memref<1x!tpu.dma_semaphore, #tpu.memory_space<semaphore_mem>> -> memref<!tpu.dma_semaphore, #tpu.memory_space<semaphore_mem>>
      tpu.wait_indirect_dma semaphore(%dma_wait3A_257 : memref<!tpu.dma_semaphore, #tpu.memory_space<semaphore_mem>>) src(%dma_wait3A_255 : memref<10000x128xf32, #tpu.memory_space<hbm>>) dst(%dma_wait3A_251 : memref<72x128xf32, #tpu.memory_space<vmem>>)
      %mul3A_258 = arith.constant 72 : i32
      %mul3A_259 = arith.muli %add3A_243, %mul3A_258 : i32
      %dma_start3A_260 = arith.constant 1 : i32
      %dma_start3A_261 = arith.constant 1 : i32
      %dma_start3A_262 = arith.constant 0 : i32
      %dma_start3A_263 = arith.constant 0 : i32
      %dma_start3A_264 = tpu.memref_slice %arg11[%dma_start3A_260, %dma_start3A_262, %dma_start3A_263] : memref<3x72x128xf32, #tpu.memory_space<vmem>> -> memref<1x72x128xf32, #tpu.memory_space<vmem>>
      %dma_start3A_265 = tpu.memref_squeeze %dma_start3A_264 : memref<1x72x128xf32, #tpu.memory_space<vmem>> -> memref<72x128xf32, #tpu.memory_space<vmem>>
      %dma_start3A_266 = tpu.memref_slice %arg10[%mul3A_259] : memref<10000xi32, #tpu.memory_space<vmem>> -> memref<72xi32, #tpu.memory_space<vmem>>
      %dma_start3A_267 = arith.constant 0 : i32
      %dma_start3A_268 = arith.constant 0 : i32
      %dma_start3A_269 = tpu.memref_slice %arg13[%dma_start3A_267, %dma_start3A_268] : memref<10240x128xf32, #tpu.memory_space<vmem_shared>> -> memref<10240x128xf32, #tpu.memory_space<vmem_shared>>
      %dma_start3A_270 = tpu.memref_slice %arg16[%dma_start3A_261] : memref<3x!tpu.dma_semaphore, #tpu.memory_space<semaphore_mem>> -> memref<1x!tpu.dma_semaphore, #tpu.memory_space<semaphore_mem>>
      %dma_start3A_271 = tpu.memref_squeeze %dma_start3A_270 : memref<1x!tpu.dma_semaphore, #tpu.memory_space<semaphore_mem>> -> memref<!tpu.dma_semaphore, #tpu.memory_space<semaphore_mem>>
      tpu.enqueue_indirect_dma source(%dma_start3A_265 : memref<72x128xf32, #tpu.memory_space<vmem>>) target(%dma_start3A_269 : memref<10240x128xf32, #tpu.memory_space<vmem_shared>>) offsets(%dma_start3A_266 : memref<72xi32, #tpu.memory_space<vmem>>) semaphore(%dma_start3A_271 : memref<!tpu.dma_semaphore, #tpu.memory_space<semaphore_mem>>) {add = true}
      %mul3A_272 = arith.constant 72 : i32
      %mul3A_273 = arith.muli %add3A_243, %mul3A_272 : i32
      %dma_start3A_274 = arith.constant 0 : i32
      %dma_start3A_275 = tpu.memref_slice %arg10[%mul3A_273] : memref<10000xi32, #tpu.memory_space<vmem>> -> memref<72xi32, #tpu.memory_space<vmem>>
      %dma_start3A_276 = arith.constant 0 : i32
      %dma_start3A_277 = tpu.memref_slice %arg14[%dma_start3A_276] : memref<10240xf32, #tpu.memory_space<vmem_shared>> -> memref<10240xf32, #tpu.memory_space<vmem_shared>>
      %dma_start3A_278 = tpu.memref_slice %arg17[%dma_start3A_274] : memref<3x!tpu.dma_semaphore, #tpu.memory_space<semaphore_mem>> -> memref<1x!tpu.dma_semaphore, #tpu.memory_space<semaphore_mem>>
      %dma_start3A_279 = tpu.memref_squeeze %dma_start3A_278 : memref<1x!tpu.dma_semaphore, #tpu.memory_space<semaphore_mem>> -> memref<!tpu.dma_semaphore, #tpu.memory_space<semaphore_mem>>
      tpu.enqueue_indirect_dma source(%arg12 : memref<72xf32, #tpu.memory_space<vmem>>) target(%dma_start3A_277 : memref<10240xf32, #tpu.memory_space<vmem_shared>>) offsets(%dma_start3A_275 : memref<72xi32, #tpu.memory_space<vmem>>) semaphore(%dma_start3A_279 : memref<!tpu.dma_semaphore, #tpu.memory_space<semaphore_mem>>) {add = true}
      %sub3A = arith.constant 1 : i32
      %sub3A_280 = arith.subi %add3A_243, %sub3A : i32
      %mul3A_281 = arith.constant 72 : i32
      %mul3A_282 = arith.muli %sub3A_280, %mul3A_281 : i32
      %dma_wait3A_283 = arith.constant 0 : i32
      %dma_wait3A_284 = arith.constant 0 : i32
      %dma_wait3A_285 = arith.constant 0 : i32
      %dma_wait3A_286 = arith.constant 0 : i32
      %dma_wait3A_287 = tpu.memref_slice %arg11[%dma_wait3A_283, %dma_wait3A_285, %dma_wait3A_286] : memref<3x72x128xf32, #tpu.memory_space<vmem>> -> memref<1x72x128xf32, #tpu.memory_space<vmem>>
      %dma_wait3A_288 = tpu.memref_squeeze %dma_wait3A_287 : memref<1x72x128xf32, #tpu.memory_space<vmem>> -> memref<72x128xf32, #tpu.memory_space<vmem>>
      %dma_wait3A_289 = tpu.memref_slice %arg10[%mul3A_282] : memref<10000xi32, #tpu.memory_space<vmem>> -> memref<72xi32, #tpu.memory_space<vmem>>
      %dma_wait3A_290 = arith.constant 0 : i32
      %dma_wait3A_291 = arith.constant 0 : i32
      %dma_wait3A_292 = tpu.memref_slice %arg13[%dma_wait3A_290, %dma_wait3A_291] : memref<10240x128xf32, #tpu.memory_space<vmem_shared>> -> memref<10240x128xf32, #tpu.memory_space<vmem_shared>>
      %dma_wait3A_293 = tpu.memref_slice %arg16[%dma_wait3A_284] : memref<3x!tpu.dma_semaphore, #tpu.memory_space<semaphore_mem>> -> memref<1x!tpu.dma_semaphore, #tpu.memory_space<semaphore_mem>>
      %dma_wait3A_294 = tpu.memref_squeeze %dma_wait3A_293 : memref<1x!tpu.dma_semaphore, #tpu.memory_space<semaphore_mem>> -> memref<!tpu.dma_semaphore, #tpu.memory_space<semaphore_mem>>
      tpu.wait_indirect_dma semaphore(%dma_wait3A_294 : memref<!tpu.dma_semaphore, #tpu.memory_space<semaphore_mem>>) src(%dma_wait3A_288 : memref<72x128xf32, #tpu.memory_space<vmem>>) dst(%dma_wait3A_292 : memref<10240x128xf32, #tpu.memory_space<vmem_shared>>)
      %add3A_295 = arith.constant 3 : i32
      %add3A_296 = arith.addi %add3A_243, %add3A_295 : i32
      %sub3A_297 = arith.constant 1 : i32
      %sub3A_298 = arith.subi %add3A_296, %sub3A_297 : i32
      %mul3A_299 = arith.constant 72 : i32
      %mul3A_300 = arith.muli %sub3A_298, %mul3A_299 : i32
      %dma_start3A_301 = arith.constant 0 : i32
      %dma_start3A_302 = arith.constant 0 : i32
      %dma_start3A_303 = arith.constant 0 : i32
      %dma_start3A_304 = arith.constant 0 : i32
      %dma_start3A_305 = tpu.memref_slice %arg11[%dma_start3A_301, %dma_start3A_303, %dma_start3A_304] : memref<3x72x128xf32, #tpu.memory_space<vmem>> -> memref<1x72x128xf32, #tpu.memory_space<vmem>>
      %dma_start3A_306 = tpu.memref_squeeze %dma_start3A_305 : memref<1x72x128xf32, #tpu.memory_space<vmem>> -> memref<72x128xf32, #tpu.memory_space<vmem>>
      %dma_start3A_307 = tpu.memref_slice %arg9[%mul3A_300] : memref<10000xi32, #tpu.memory_space<vmem>> -> memref<72xi32, #tpu.memory_space<vmem>>
      %dma_start3A_308 = arith.constant 0 : i32
      %dma_start3A_309 = arith.constant 0 : i32
      %dma_start3A_310 = tpu.memref_slice %arg2[%dma_start3A_308, %dma_start3A_309] : memref<10000x128xf32, #tpu.memory_space<hbm>> -> memref<10000x128xf32, #tpu.memory_space<hbm>>
      %dma_start3A_311 = tpu.memref_slice %arg15[%dma_start3A_302] : memref<3x!tpu.dma_semaphore, #tpu.memory_space<semaphore_mem>> -> memref<1x!tpu.dma_semaphore, #tpu.memory_space<semaphore_mem>>
      %dma_start3A_312 = tpu.memref_squeeze %dma_start3A_311 : memref<1x!tpu.dma_semaphore, #tpu.memory_space<semaphore_mem>> -> memref<!tpu.dma_semaphore, #tpu.memory_space<semaphore_mem>>
      tpu.enqueue_indirect_dma source(%dma_start3A_310 : memref<10000x128xf32, #tpu.memory_space<hbm>>) target(%dma_start3A_306 : memref<72x128xf32, #tpu.memory_space<vmem>>) offsets(%dma_start3A_307 : memref<72xi32, #tpu.memory_space<vmem>>) semaphore(%dma_start3A_312 : memref<!tpu.dma_semaphore, #tpu.memory_space<semaphore_mem>>)
      %mul3A_313 = arith.constant 3 : i32
      %mul3A_314 = arith.muli %scan3A_237, %mul3A_313 : i32
      %add3A_315 = arith.constant 1 : i32
      %add3A_316 = arith.addi %mul3A_314, %add3A_315 : i32
      %add3A_317 = arith.constant 1 : i32
      %add3A_318 = arith.addi %add3A_316, %add3A_317 : i32
      %mul3A_319 = arith.constant 72 : i32
      %mul3A_320 = arith.muli %add3A_318, %mul3A_319 : i32
      %dma_wait3A_321 = arith.constant 2 : i32
      %dma_wait3A_322 = arith.constant 2 : i32
      %dma_wait3A_323 = arith.constant 0 : i32
      %dma_wait3A_324 = arith.constant 0 : i32
      %dma_wait3A_325 = tpu.memref_slice %arg11[%dma_wait3A_321, %dma_wait3A_323, %dma_wait3A_324] : memref<3x72x128xf32, #tpu.memory_space<vmem>> -> memref<1x72x128xf32, #tpu.memory_space<vmem>>
      %dma_wait3A_326 = tpu.memref_squeeze %dma_wait3A_325 : memref<1x72x128xf32, #tpu.memory_space<vmem>> -> memref<72x128xf32, #tpu.memory_space<vmem>>
      %dma_wait3A_327 = tpu.memref_slice %arg9[%mul3A_320] : memref<10000xi32, #tpu.memory_space<vmem>> -> memref<72xi32, #tpu.memory_space<vmem>>
      %dma_wait3A_328 = arith.constant 0 : i32
      %dma_wait3A_329 = arith.constant 0 : i32
      %dma_wait3A_330 = tpu.memref_slice %arg2[%dma_wait3A_328, %dma_wait3A_329] : memref<10000x128xf32, #tpu.memory_space<hbm>> -> memref<10000x128xf32, #tpu.memory_space<hbm>>
      %dma_wait3A_331 = tpu.memref_slice %arg15[%dma_wait3A_322] : memref<3x!tpu.dma_semaphore, #tpu.memory_space<semaphore_mem>> -> memref<1x!tpu.dma_semaphore, #tpu.memory_space<semaphore_mem>>
      %dma_wait3A_332 = tpu.memref_squeeze %dma_wait3A_331 : memref<1x!tpu.dma_semaphore, #tpu.memory_space<semaphore_mem>> -> memref<!tpu.dma_semaphore, #tpu.memory_space<semaphore_mem>>
      tpu.wait_indirect_dma semaphore(%dma_wait3A_332 : memref<!tpu.dma_semaphore, #tpu.memory_space<semaphore_mem>>) src(%dma_wait3A_330 : memref<10000x128xf32, #tpu.memory_space<hbm>>) dst(%dma_wait3A_326 : memref<72x128xf32, #tpu.memory_space<vmem>>)
      %mul3A_333 = arith.constant 72 : i32
      %mul3A_334 = arith.muli %add3A_318, %mul3A_333 : i32
      %dma_start3A_335 = arith.constant 2 : i32
      %dma_start3A_336 = arith.constant 2 : i32
      %dma_start3A_337 = arith.constant 0 : i32
      %dma_start3A_338 = arith.constant 0 : i32
      %dma_start3A_339 = tpu.memref_slice %arg11[%dma_start3A_335, %dma_start3A_337, %dma_start3A_338] : memref<3x72x128xf32, #tpu.memory_space<vmem>> -> memref<1x72x128xf32, #tpu.memory_space<vmem>>
      %dma_start3A_340 = tpu.memref_squeeze %dma_start3A_339 : memref<1x72x128xf32, #tpu.memory_space<vmem>> -> memref<72x128xf32, #tpu.memory_space<vmem>>
      %dma_start3A_341 = tpu.memref_slice %arg10[%mul3A_334] : memref<10000xi32, #tpu.memory_space<vmem>> -> memref<72xi32, #tpu.memory_space<vmem>>
      %dma_start3A_342 = arith.constant 0 : i32
      %dma_start3A_343 = arith.constant 0 : i32
      %dma_start3A_344 = tpu.memref_slice %arg13[%dma_start3A_342, %dma_start3A_343] : memref<10240x128xf32, #tpu.memory_space<vmem_shared>> -> memref<10240x128xf32, #tpu.memory_space<vmem_shared>>
      %dma_start3A_345 = tpu.memref_slice %arg16[%dma_start3A_336] : memref<3x!tpu.dma_semaphore, #tpu.memory_space<semaphore_mem>> -> memref<1x!tpu.dma_semaphore, #tpu.memory_space<semaphore_mem>>
      %dma_start3A_346 = tpu.memref_squeeze %dma_start3A_345 : memref<1x!tpu.dma_semaphore, #tpu.memory_space<semaphore_mem>> -> memref<!tpu.dma_semaphore, #tpu.memory_space<semaphore_mem>>
      tpu.enqueue_indirect_dma source(%dma_start3A_340 : memref<72x128xf32, #tpu.memory_space<vmem>>) target(%dma_start3A_344 : memref<10240x128xf32, #tpu.memory_space<vmem_shared>>) offsets(%dma_start3A_341 : memref<72xi32, #tpu.memory_space<vmem>>) semaphore(%dma_start3A_346 : memref<!tpu.dma_semaphore, #tpu.memory_space<semaphore_mem>>) {add = true}
      %mul3A_347 = arith.constant 72 : i32
      %mul3A_348 = arith.muli %add3A_318, %mul3A_347 : i32
      %dma_start3A_349 = arith.constant 0 : i32
      %dma_start3A_350 = tpu.memref_slice %arg10[%mul3A_348] : memref<10000xi32, #tpu.memory_space<vmem>> -> memref<72xi32, #tpu.memory_space<vmem>>
      %dma_start3A_351 = arith.constant 0 : i32
      %dma_start3A_352 = tpu.memref_slice %arg14[%dma_start3A_351] : memref<10240xf32, #tpu.memory_space<vmem_shared>> -> memref<10240xf32, #tpu.memory_space<vmem_shared>>
      %dma_start3A_353 = tpu.memref_slice %arg17[%dma_start3A_349] : memref<3x!tpu.dma_semaphore, #tpu.memory_space<semaphore_mem>> -> memref<1x!tpu.dma_semaphore, #tpu.memory_space<semaphore_mem>>
      %dma_start3A_354 = tpu.memref_squeeze %dma_start3A_353 : memref<1x!tpu.dma_semaphore, #tpu.memory_space<semaphore_mem>> -> memref<!tpu.dma_semaphore, #tpu.memory_space<semaphore_mem>>
      tpu.enqueue_indirect_dma source(%arg12 : memref<72xf32, #tpu.memory_space<vmem>>) target(%dma_start3A_352 : memref<10240xf32, #tpu.memory_space<vmem_shared>>) offsets(%dma_start3A_350 : memref<72xi32, #tpu.memory_space<vmem>>) semaphore(%dma_start3A_354 : memref<!tpu.dma_semaphore, #tpu.memory_space<semaphore_mem>>) {add = true}
      %sub3A_355 = arith.constant 1 : i32
      %sub3A_356 = arith.subi %add3A_318, %sub3A_355 : i32
      %mul3A_357 = arith.constant 72 : i32
      %mul3A_358 = arith.muli %sub3A_356, %mul3A_357 : i32
      %dma_wait3A_359 = arith.constant 1 : i32
      %dma_wait3A_360 = arith.constant 1 : i32
      %dma_wait3A_361 = arith.constant 0 : i32
      %dma_wait3A_362 = arith.constant 0 : i32
      %dma_wait3A_363 = tpu.memref_slice %arg11[%dma_wait3A_359, %dma_wait3A_361, %dma_wait3A_362] : memref<3x72x128xf32, #tpu.memory_space<vmem>> -> memref<1x72x128xf32, #tpu.memory_space<vmem>>
      %dma_wait3A_364 = tpu.memref_squeeze %dma_wait3A_363 : memref<1x72x128xf32, #tpu.memory_space<vmem>> -> memref<72x128xf32, #tpu.memory_space<vmem>>
      %dma_wait3A_365 = tpu.memref_slice %arg10[%mul3A_358] : memref<10000xi32, #tpu.memory_space<vmem>> -> memref<72xi32, #tpu.memory_space<vmem>>
      %dma_wait3A_366 = arith.constant 0 : i32
      %dma_wait3A_367 = arith.constant 0 : i32
      %dma_wait3A_368 = tpu.memref_slice %arg13[%dma_wait3A_366, %dma_wait3A_367] : memref<10240x128xf32, #tpu.memory_space<vmem_shared>> -> memref<10240x128xf32, #tpu.memory_space<vmem_shared>>
      %dma_wait3A_369 = tpu.memref_slice %arg16[%dma_wait3A_360] : memref<3x!tpu.dma_semaphore, #tpu.memory_space<semaphore_mem>> -> memref<1x!tpu.dma_semaphore, #tpu.memory_space<semaphore_mem>>
      %dma_wait3A_370 = tpu.memref_squeeze %dma_wait3A_369 : memref<1x!tpu.dma_semaphore, #tpu.memory_space<semaphore_mem>> -> memref<!tpu.dma_semaphore, #tpu.memory_space<semaphore_mem>>
      tpu.wait_indirect_dma semaphore(%dma_wait3A_370 : memref<!tpu.dma_semaphore, #tpu.memory_space<semaphore_mem>>) src(%dma_wait3A_364 : memref<72x128xf32, #tpu.memory_space<vmem>>) dst(%dma_wait3A_368 : memref<10240x128xf32, #tpu.memory_space<vmem_shared>>)
      %add3A_371 = arith.constant 3 : i32
      %add3A_372 = arith.addi %add3A_318, %add3A_371 : i32
      %sub3A_373 = arith.constant 1 : i32
      %sub3A_374 = arith.subi %add3A_372, %sub3A_373 : i32
      %mul3A_375 = arith.constant 72 : i32
      %mul3A_376 = arith.muli %sub3A_374, %mul3A_375 : i32
      %dma_start3A_377 = arith.constant 1 : i32
      %dma_start3A_378 = arith.constant 1 : i32
      %dma_start3A_379 = arith.constant 0 : i32
      %dma_start3A_380 = arith.constant 0 : i32
      %dma_start3A_381 = tpu.memref_slice %arg11[%dma_start3A_377, %dma_start3A_379, %dma_start3A_380] : memref<3x72x128xf32, #tpu.memory_space<vmem>> -> memref<1x72x128xf32, #tpu.memory_space<vmem>>
      %dma_start3A_382 = tpu.memref_squeeze %dma_start3A_381 : memref<1x72x128xf32, #tpu.memory_space<vmem>> -> memref<72x128xf32, #tpu.memory_space<vmem>>
      %dma_start3A_383 = tpu.memref_slice %arg9[%mul3A_376] : memref<10000xi32, #tpu.memory_space<vmem>> -> memref<72xi32, #tpu.memory_space<vmem>>
      %dma_start3A_384 = arith.constant 0 : i32
      %dma_start3A_385 = arith.constant 0 : i32
      %dma_start3A_386 = tpu.memref_slice %arg2[%dma_start3A_384, %dma_start3A_385] : memref<10000x128xf32, #tpu.memory_space<hbm>> -> memref<10000x128xf32, #tpu.memory_space<hbm>>
      %dma_start3A_387 = tpu.memref_slice %arg15[%dma_start3A_378] : memref<3x!tpu.dma_semaphore, #tpu.memory_space<semaphore_mem>> -> memref<1x!tpu.dma_semaphore, #tpu.memory_space<semaphore_mem>>
      %dma_start3A_388 = tpu.memref_squeeze %dma_start3A_387 : memref<1x!tpu.dma_semaphore, #tpu.memory_space<semaphore_mem>> -> memref<!tpu.dma_semaphore, #tpu.memory_space<semaphore_mem>>
      tpu.enqueue_indirect_dma source(%dma_start3A_386 : memref<10000x128xf32, #tpu.memory_space<hbm>>) target(%dma_start3A_382 : memref<72x128xf32, #tpu.memory_space<vmem>>) offsets(%dma_start3A_383 : memref<72xi32, #tpu.memory_space<vmem>>) semaphore(%dma_start3A_388 : memref<!tpu.dma_semaphore, #tpu.memory_space<semaphore_mem>>)
      %mul3A_389 = arith.constant 3 : i32
      %mul3A_390 = arith.muli %scan3A_237, %mul3A_389 : i32
      %add3A_391 = arith.constant 2 : i32
      %add3A_392 = arith.addi %mul3A_390, %add3A_391 : i32
      %add3A_393 = arith.constant 1 : i32
      %add3A_394 = arith.addi %add3A_392, %add3A_393 : i32
      %mul3A_395 = arith.constant 72 : i32
      %mul3A_396 = arith.muli %add3A_394, %mul3A_395 : i32
      %dma_wait3A_397 = arith.constant 0 : i32
      %dma_wait3A_398 = arith.constant 0 : i32
      %dma_wait3A_399 = arith.constant 0 : i32
      %dma_wait3A_400 = arith.constant 0 : i32
      %dma_wait3A_401 = tpu.memref_slice %arg11[%dma_wait3A_397, %dma_wait3A_399, %dma_wait3A_400] : memref<3x72x128xf32, #tpu.memory_space<vmem>> -> memref<1x72x128xf32, #tpu.memory_space<vmem>>
      %dma_wait3A_402 = tpu.memref_squeeze %dma_wait3A_401 : memref<1x72x128xf32, #tpu.memory_space<vmem>> -> memref<72x128xf32, #tpu.memory_space<vmem>>
      %dma_wait3A_403 = tpu.memref_slice %arg9[%mul3A_396] : memref<10000xi32, #tpu.memory_space<vmem>> -> memref<72xi32, #tpu.memory_space<vmem>>
      %dma_wait3A_404 = arith.constant 0 : i32
      %dma_wait3A_405 = arith.constant 0 : i32
      %dma_wait3A_406 = tpu.memref_slice %arg2[%dma_wait3A_404, %dma_wait3A_405] : memref<10000x128xf32, #tpu.memory_space<hbm>> -> memref<10000x128xf32, #tpu.memory_space<hbm>>
      %dma_wait3A_407 = tpu.memref_slice %arg15[%dma_wait3A_398] : memref<3x!tpu.dma_semaphore, #tpu.memory_space<semaphore_mem>> -> memref<1x!tpu.dma_semaphore, #tpu.memory_space<semaphore_mem>>
      %dma_wait3A_408 = tpu.memref_squeeze %dma_wait3A_407 : memref<1x!tpu.dma_semaphore, #tpu.memory_space<semaphore_mem>> -> memref<!tpu.dma_semaphore, #tpu.memory_space<semaphore_mem>>
      tpu.wait_indirect_dma semaphore(%dma_wait3A_408 : memref<!tpu.dma_semaphore, #tpu.memory_space<semaphore_mem>>) src(%dma_wait3A_406 : memref<10000x128xf32, #tpu.memory_space<hbm>>) dst(%dma_wait3A_402 : memref<72x128xf32, #tpu.memory_space<vmem>>)
      %mul3A_409 = arith.constant 72 : i32
      %mul3A_410 = arith.muli %add3A_394, %mul3A_409 : i32
      %dma_start3A_411 = arith.constant 0 : i32
      %dma_start3A_412 = arith.constant 0 : i32
      %dma_start3A_413 = arith.constant 0 : i32
      %dma_start3A_414 = arith.constant 0 : i32
      %dma_start3A_415 = tpu.memref_slice %arg11[%dma_start3A_411, %dma_start3A_413, %dma_start3A_414] : memref<3x72x128xf32, #tpu.memory_space<vmem>> -> memref<1x72x128xf32, #tpu.memory_space<vmem>>
      %dma_start3A_416 = tpu.memref_squeeze %dma_start3A_415 : memref<1x72x128xf32, #tpu.memory_space<vmem>> -> memref<72x128xf32, #tpu.memory_space<vmem>>
      %dma_start3A_417 = tpu.memref_slice %arg10[%mul3A_410] : memref<10000xi32, #tpu.memory_space<vmem>> -> memref<72xi32, #tpu.memory_space<vmem>>
      %dma_start3A_418 = arith.constant 0 : i32
      %dma_start3A_419 = arith.constant 0 : i32
      %dma_start3A_420 = tpu.memref_slice %arg13[%dma_start3A_418, %dma_start3A_419] : memref<10240x128xf32, #tpu.memory_space<vmem_shared>> -> memref<10240x128xf32, #tpu.memory_space<vmem_shared>>
      %dma_start3A_421 = tpu.memref_slice %arg16[%dma_start3A_412] : memref<3x!tpu.dma_semaphore, #tpu.memory_space<semaphore_mem>> -> memref<1x!tpu.dma_semaphore, #tpu.memory_space<semaphore_mem>>
      %dma_start3A_422 = tpu.memref_squeeze %dma_start3A_421 : memref<1x!tpu.dma_semaphore, #tpu.memory_space<semaphore_mem>> -> memref<!tpu.dma_semaphore, #tpu.memory_space<semaphore_mem>>
      tpu.enqueue_indirect_dma source(%dma_start3A_416 : memref<72x128xf32, #tpu.memory_space<vmem>>) target(%dma_start3A_420 : memref<10240x128xf32, #tpu.memory_space<vmem_shared>>) offsets(%dma_start3A_417 : memref<72xi32, #tpu.memory_space<vmem>>) semaphore(%dma_start3A_422 : memref<!tpu.dma_semaphore, #tpu.memory_space<semaphore_mem>>) {add = true}
      %mul3A_423 = arith.constant 72 : i32
      %mul3A_424 = arith.muli %add3A_394, %mul3A_423 : i32
      %dma_start3A_425 = arith.constant 0 : i32
      %dma_start3A_426 = tpu.memref_slice %arg10[%mul3A_424] : memref<10000xi32, #tpu.memory_space<vmem>> -> memref<72xi32, #tpu.memory_space<vmem>>
      %dma_start3A_427 = arith.constant 0 : i32
      %dma_start3A_428 = tpu.memref_slice %arg14[%dma_start3A_427] : memref<10240xf32, #tpu.memory_space<vmem_shared>> -> memref<10240xf32, #tpu.memory_space<vmem_shared>>
      %dma_start3A_429 = tpu.memref_slice %arg17[%dma_start3A_425] : memref<3x!tpu.dma_semaphore, #tpu.memory_space<semaphore_mem>> -> memref<1x!tpu.dma_semaphore, #tpu.memory_space<semaphore_mem>>
      %dma_start3A_430 = tpu.memref_squeeze %dma_start3A_429 : memref<1x!tpu.dma_semaphore, #tpu.memory_space<semaphore_mem>> -> memref<!tpu.dma_semaphore, #tpu.memory_space<semaphore_mem>>
      tpu.enqueue_indirect_dma source(%arg12 : memref<72xf32, #tpu.memory_space<vmem>>) target(%dma_start3A_428 : memref<10240xf32, #tpu.memory_space<vmem_shared>>) offsets(%dma_start3A_426 : memref<72xi32, #tpu.memory_space<vmem>>) semaphore(%dma_start3A_430 : memref<!tpu.dma_semaphore, #tpu.memory_space<semaphore_mem>>) {add = true}
      %sub3A_431 = arith.constant 1 : i32
      %sub3A_432 = arith.subi %add3A_394, %sub3A_431 : i32
      %mul3A_433 = arith.constant 72 : i32
      %mul3A_434 = arith.muli %sub3A_432, %mul3A_433 : i32
      %dma_wait3A_435 = arith.constant 2 : i32
      %dma_wait3A_436 = arith.constant 2 : i32
      %dma_wait3A_437 = arith.constant 0 : i32
      %dma_wait3A_438 = arith.constant 0 : i32
      %dma_wait3A_439 = tpu.memref_slice %arg11[%dma_wait3A_435, %dma_wait3A_437, %dma_wait3A_438] : memref<3x72x128xf32, #tpu.memory_space<vmem>> -> memref<1x72x128xf32, #tpu.memory_space<vmem>>
      %dma_wait3A_440 = tpu.memref_squeeze %dma_wait3A_439 : memref<1x72x128xf32, #tpu.memory_space<vmem>> -> memref<72x128xf32, #tpu.memory_space<vmem>>
      %dma_wait3A_441 = tpu.memref_slice %arg10[%mul3A_434] : memref<10000xi32, #tpu.memory_space<vmem>> -> memref<72xi32, #tpu.memory_space<vmem>>
      %dma_wait3A_442 = arith.constant 0 : i32
      %dma_wait3A_443 = arith.constant 0 : i32
      %dma_wait3A_444 = tpu.memref_slice %arg13[%dma_wait3A_442, %dma_wait3A_443] : memref<10240x128xf32, #tpu.memory_space<vmem_shared>> -> memref<10240x128xf32, #tpu.memory_space<vmem_shared>>
      %dma_wait3A_445 = tpu.memref_slice %arg16[%dma_wait3A_436] : memref<3x!tpu.dma_semaphore, #tpu.memory_space<semaphore_mem>> -> memref<1x!tpu.dma_semaphore, #tpu.memory_space<semaphore_mem>>
      %dma_wait3A_446 = tpu.memref_squeeze %dma_wait3A_445 : memref<1x!tpu.dma_semaphore, #tpu.memory_space<semaphore_mem>> -> memref<!tpu.dma_semaphore, #tpu.memory_space<semaphore_mem>>
      tpu.wait_indirect_dma semaphore(%dma_wait3A_446 : memref<!tpu.dma_semaphore, #tpu.memory_space<semaphore_mem>>) src(%dma_wait3A_440 : memref<72x128xf32, #tpu.memory_space<vmem>>) dst(%dma_wait3A_444 : memref<10240x128xf32, #tpu.memory_space<vmem_shared>>)
      %add3A_447 = arith.constant 3 : i32
      %add3A_448 = arith.addi %add3A_394, %add3A_447 : i32
      %sub3A_449 = arith.constant 1 : i32
      %sub3A_450 = arith.subi %add3A_448, %sub3A_449 : i32
      %mul3A_451 = arith.constant 72 : i32
      %mul3A_452 = arith.muli %sub3A_450, %mul3A_451 : i32
      %dma_start3A_453 = arith.constant 2 : i32
      %dma_start3A_454 = arith.constant 2 : i32
      %dma_start3A_455 = arith.constant 0 : i32
      %dma_start3A_456 = arith.constant 0 : i32
      %dma_start3A_457 = tpu.memref_slice %arg11[%dma_start3A_453, %dma_start3A_455, %dma_start3A_456] : memref<3x72x128xf32, #tpu.memory_space<vmem>> -> memref<1x72x128xf32, #tpu.memory_space<vmem>>
      %dma_start3A_458 = tpu.memref_squeeze %dma_start3A_457 : memref<1x72x128xf32, #tpu.memory_space<vmem>> -> memref<72x128xf32, #tpu.memory_space<vmem>>
      %dma_start3A_459 = tpu.memref_slice %arg9[%mul3A_452] : memref<10000xi32, #tpu.memory_space<vmem>> -> memref<72xi32, #tpu.memory_space<vmem>>
      %dma_start3A_460 = arith.constant 0 : i32
      %dma_start3A_461 = arith.constant 0 : i32
      %dma_start3A_462 = tpu.memref_slice %arg2[%dma_start3A_460, %dma_start3A_461] : memref<10000x128xf32, #tpu.memory_space<hbm>> -> memref<10000x128xf32, #tpu.memory_space<hbm>>
      %dma_start3A_463 = tpu.memref_slice %arg15[%dma_start3A_454] : memref<3x!tpu.dma_semaphore, #tpu.memory_space<semaphore_mem>> -> memref<1x!tpu.dma_semaphore, #tpu.memory_space<semaphore_mem>>
      %dma_start3A_464 = tpu.memref_squeeze %dma_start3A_463 : memref<1x!tpu.dma_semaphore, #tpu.memory_space<semaphore_mem>> -> memref<!tpu.dma_semaphore, #tpu.memory_space<semaphore_mem>>
      tpu.enqueue_indirect_dma source(%dma_start3A_462 : memref<10000x128xf32, #tpu.memory_space<hbm>>) target(%dma_start3A_458 : memref<72x128xf32, #tpu.memory_space<vmem>>) offsets(%dma_start3A_459 : memref<72xi32, #tpu.memory_space<vmem>>) semaphore(%dma_start3A_464 : memref<!tpu.dma_semaphore, #tpu.memory_space<semaphore_mem>>)
    }
    %scan3A_87 = arith.constant 45 : i32
    %dma_wait3A_88 = arith.constant 1 : i32
    %dma_wait3A_89 = arith.constant 1 : i32
    %dma_wait3A_90 = arith.constant 0 : i32
    %dma_wait3A_91 = arith.constant 0 : i32
    %dma_wait3A_92 = tpu.memref_slice %arg11[%dma_wait3A_88, %dma_wait3A_90, %dma_wait3A_91] : memref<3x72x128xf32, #tpu.memory_space<vmem>> -> memref<1x72x128xf32, #tpu.memory_space<vmem>>
    %dma_wait3A_93 = tpu.memref_squeeze %dma_wait3A_92 : memref<1x72x128xf32, #tpu.memory_space<vmem>> -> memref<72x128xf32, #tpu.memory_space<vmem>>
    %dma_wait3A_94 = arith.constant 9792 : i32
    %dma_wait3A_95 = tpu.memref_slice %arg9[%dma_wait3A_94] : memref<10000xi32, #tpu.memory_space<vmem>> -> memref<72xi32, #tpu.memory_space<vmem>>
    %dma_wait3A_96 = arith.constant 0 : i32
    %dma_wait3A_97 = arith.constant 0 : i32
    %dma_wait3A_98 = tpu.memref_slice %arg2[%dma_wait3A_96, %dma_wait3A_97] : memref<10000x128xf32, #tpu.memory_space<hbm>> -> memref<10000x128xf32, #tpu.memory_space<hbm>>
    %dma_wait3A_99 = tpu.memref_slice %arg15[%dma_wait3A_89] : memref<3x!tpu.dma_semaphore, #tpu.memory_space<semaphore_mem>> -> memref<1x!tpu.dma_semaphore, #tpu.memory_space<semaphore_mem>>
    %dma_wait3A_100 = tpu.memref_squeeze %dma_wait3A_99 : memref<1x!tpu.dma_semaphore, #tpu.memory_space<semaphore_mem>> -> memref<!tpu.dma_semaphore, #tpu.memory_space<semaphore_mem>>
    tpu.wait_indirect_dma semaphore(%dma_wait3A_100 : memref<!tpu.dma_semaphore, #tpu.memory_space<semaphore_mem>>) src(%dma_wait3A_98 : memref<10000x128xf32, #tpu.memory_space<hbm>>) dst(%dma_wait3A_93 : memref<72x128xf32, #tpu.memory_space<vmem>>)
    %dma_start3A_101 = arith.constant 1 : i32
    %dma_start3A_102 = arith.constant 1 : i32
    %dma_start3A_103 = arith.constant 0 : i32
    %dma_start3A_104 = arith.constant 0 : i32
    %dma_start3A_105 = tpu.memref_slice %arg11[%dma_start3A_101, %dma_start3A_103, %dma_start3A_104] : memref<3x72x128xf32, #tpu.memory_space<vmem>> -> memref<1x72x128xf32, #tpu.memory_space<vmem>>
    %dma_start3A_106 = tpu.memref_squeeze %dma_start3A_105 : memref<1x72x128xf32, #tpu.memory_space<vmem>> -> memref<72x128xf32, #tpu.memory_space<vmem>>
    %dma_start3A_107 = arith.constant 9792 : i32
    %dma_start3A_108 = tpu.memref_slice %arg10[%dma_start3A_107] : memref<10000xi32, #tpu.memory_space<vmem>> -> memref<72xi32, #tpu.memory_space<vmem>>
    %dma_start3A_109 = arith.constant 0 : i32
    %dma_start3A_110 = arith.constant 0 : i32
    %dma_start3A_111 = tpu.memref_slice %arg13[%dma_start3A_109, %dma_start3A_110] : memref<10240x128xf32, #tpu.memory_space<vmem_shared>> -> memref<10240x128xf32, #tpu.memory_space<vmem_shared>>
    %dma_start3A_112 = tpu.memref_slice %arg16[%dma_start3A_102] : memref<3x!tpu.dma_semaphore, #tpu.memory_space<semaphore_mem>> -> memref<1x!tpu.dma_semaphore, #tpu.memory_space<semaphore_mem>>
    %dma_start3A_113 = tpu.memref_squeeze %dma_start3A_112 : memref<1x!tpu.dma_semaphore, #tpu.memory_space<semaphore_mem>> -> memref<!tpu.dma_semaphore, #tpu.memory_space<semaphore_mem>>
    tpu.enqueue_indirect_dma source(%dma_start3A_106 : memref<72x128xf32, #tpu.memory_space<vmem>>) target(%dma_start3A_111 : memref<10240x128xf32, #tpu.memory_space<vmem_shared>>) offsets(%dma_start3A_108 : memref<72xi32, #tpu.memory_space<vmem>>) semaphore(%dma_start3A_113 : memref<!tpu.dma_semaphore, #tpu.memory_space<semaphore_mem>>) {add = true}
    %dma_start3A_114 = arith.constant 0 : i32
    %dma_start3A_115 = arith.constant 9792 : i32
    %dma_start3A_116 = tpu.memref_slice %arg10[%dma_start3A_115] : memref<10000xi32, #tpu.memory_space<vmem>> -> memref<72xi32, #tpu.memory_space<vmem>>
    %dma_start3A_117 = arith.constant 0 : i32
    %dma_start3A_118 = tpu.memref_slice %arg14[%dma_start3A_117] : memref<10240xf32, #tpu.memory_space<vmem_shared>> -> memref<10240xf32, #tpu.memory_space<vmem_shared>>
    %dma_start3A_119 = tpu.memref_slice %arg17[%dma_start3A_114] : memref<3x!tpu.dma_semaphore, #tpu.memory_space<semaphore_mem>> -> memref<1x!tpu.dma_semaphore, #tpu.memory_space<semaphore_mem>>
    %dma_start3A_120 = tpu.memref_squeeze %dma_start3A_119 : memref<1x!tpu.dma_semaphore, #tpu.memory_space<semaphore_mem>> -> memref<!tpu.dma_semaphore, #tpu.memory_space<semaphore_mem>>
    tpu.enqueue_indirect_dma source(%arg12 : memref<72xf32, #tpu.memory_space<vmem>>) target(%dma_start3A_118 : memref<10240xf32, #tpu.memory_space<vmem_shared>>) offsets(%dma_start3A_116 : memref<72xi32, #tpu.memory_space<vmem>>) semaphore(%dma_start3A_120 : memref<!tpu.dma_semaphore, #tpu.memory_space<semaphore_mem>>) {add = true}
    %dma_wait3A_121 = arith.constant 0 : i32
    %dma_wait3A_122 = arith.constant 0 : i32
    %dma_wait3A_123 = arith.constant 0 : i32
    %dma_wait3A_124 = arith.constant 0 : i32
    %dma_wait3A_125 = tpu.memref_slice %arg11[%dma_wait3A_121, %dma_wait3A_123, %dma_wait3A_124] : memref<3x72x128xf32, #tpu.memory_space<vmem>> -> memref<1x72x128xf32, #tpu.memory_space<vmem>>
    %dma_wait3A_126 = tpu.memref_squeeze %dma_wait3A_125 : memref<1x72x128xf32, #tpu.memory_space<vmem>> -> memref<72x128xf32, #tpu.memory_space<vmem>>
    %dma_wait3A_127 = arith.constant 9720 : i32
    %dma_wait3A_128 = tpu.memref_slice %arg10[%dma_wait3A_127] : memref<10000xi32, #tpu.memory_space<vmem>> -> memref<72xi32, #tpu.memory_space<vmem>>
    %dma_wait3A_129 = arith.constant 0 : i32
    %dma_wait3A_130 = arith.constant 0 : i32
    %dma_wait3A_131 = tpu.memref_slice %arg13[%dma_wait3A_129, %dma_wait3A_130] : memref<10240x128xf32, #tpu.memory_space<vmem_shared>> -> memref<10240x128xf32, #tpu.memory_space<vmem_shared>>
    %dma_wait3A_132 = tpu.memref_slice %arg16[%dma_wait3A_122] : memref<3x!tpu.dma_semaphore, #tpu.memory_space<semaphore_mem>> -> memref<1x!tpu.dma_semaphore, #tpu.memory_space<semaphore_mem>>
    %dma_wait3A_133 = tpu.memref_squeeze %dma_wait3A_132 : memref<1x!tpu.dma_semaphore, #tpu.memory_space<semaphore_mem>> -> memref<!tpu.dma_semaphore, #tpu.memory_space<semaphore_mem>>
    tpu.wait_indirect_dma semaphore(%dma_wait3A_133 : memref<!tpu.dma_semaphore, #tpu.memory_space<semaphore_mem>>) src(%dma_wait3A_126 : memref<72x128xf32, #tpu.memory_space<vmem>>) dst(%dma_wait3A_131 : memref<10240x128xf32, #tpu.memory_space<vmem_shared>>)
    %dma_wait3A_134 = arith.constant 2 : i32
    %dma_wait3A_135 = arith.constant 2 : i32
    %dma_wait3A_136 = arith.constant 0 : i32
    %dma_wait3A_137 = arith.constant 0 : i32
    %dma_wait3A_138 = tpu.memref_slice %arg11[%dma_wait3A_134, %dma_wait3A_136, %dma_wait3A_137] : memref<3x72x128xf32, #tpu.memory_space<vmem>> -> memref<1x72x128xf32, #tpu.memory_space<vmem>>
    %dma_wait3A_139 = tpu.memref_squeeze %dma_wait3A_138 : memref<1x72x128xf32, #tpu.memory_space<vmem>> -> memref<72x128xf32, #tpu.memory_space<vmem>>
    %dma_wait3A_140 = arith.constant 9864 : i32
    %dma_wait3A_141 = tpu.memref_slice %arg9[%dma_wait3A_140] : memref<10000xi32, #tpu.memory_space<vmem>> -> memref<72xi32, #tpu.memory_space<vmem>>
    %dma_wait3A_142 = arith.constant 0 : i32
    %dma_wait3A_143 = arith.constant 0 : i32
    %dma_wait3A_144 = tpu.memref_slice %arg2[%dma_wait3A_142, %dma_wait3A_143] : memref<10000x128xf32, #tpu.memory_space<hbm>> -> memref<10000x128xf32, #tpu.memory_space<hbm>>
    %dma_wait3A_145 = tpu.memref_slice %arg15[%dma_wait3A_135] : memref<3x!tpu.dma_semaphore, #tpu.memory_space<semaphore_mem>> -> memref<1x!tpu.dma_semaphore, #tpu.memory_space<semaphore_mem>>
    %dma_wait3A_146 = tpu.memref_squeeze %dma_wait3A_145 : memref<1x!tpu.dma_semaphore, #tpu.memory_space<semaphore_mem>> -> memref<!tpu.dma_semaphore, #tpu.memory_space<semaphore_mem>>
    tpu.wait_indirect_dma semaphore(%dma_wait3A_146 : memref<!tpu.dma_semaphore, #tpu.memory_space<semaphore_mem>>) src(%dma_wait3A_144 : memref<10000x128xf32, #tpu.memory_space<hbm>>) dst(%dma_wait3A_139 : memref<72x128xf32, #tpu.memory_space<vmem>>)
    %dma_start3A_147 = arith.constant 2 : i32
    %dma_start3A_148 = arith.constant 2 : i32
    %dma_start3A_149 = arith.constant 0 : i32
    %dma_start3A_150 = arith.constant 0 : i32
    %dma_start3A_151 = tpu.memref_slice %arg11[%dma_start3A_147, %dma_start3A_149, %dma_start3A_150] : memref<3x72x128xf32, #tpu.memory_space<vmem>> -> memref<1x72x128xf32, #tpu.memory_space<vmem>>
    %dma_start3A_152 = tpu.memref_squeeze %dma_start3A_151 : memref<1x72x128xf32, #tpu.memory_space<vmem>> -> memref<72x128xf32, #tpu.memory_space<vmem>>
    %dma_start3A_153 = arith.constant 9864 : i32
    %dma_start3A_154 = tpu.memref_slice %arg10[%dma_start3A_153] : memref<10000xi32, #tpu.memory_space<vmem>> -> memref<72xi32, #tpu.memory_space<vmem>>
    %dma_start3A_155 = arith.constant 0 : i32
    %dma_start3A_156 = arith.constant 0 : i32
    %dma_start3A_157 = tpu.memref_slice %arg13[%dma_start3A_155, %dma_start3A_156] : memref<10240x128xf32, #tpu.memory_space<vmem_shared>> -> memref<10240x128xf32, #tpu.memory_space<vmem_shared>>
    %dma_start3A_158 = tpu.memref_slice %arg16[%dma_start3A_148] : memref<3x!tpu.dma_semaphore, #tpu.memory_space<semaphore_mem>> -> memref<1x!tpu.dma_semaphore, #tpu.memory_space<semaphore_mem>>
    %dma_start3A_159 = tpu.memref_squeeze %dma_start3A_158 : memref<1x!tpu.dma_semaphore, #tpu.memory_space<semaphore_mem>> -> memref<!tpu.dma_semaphore, #tpu.memory_space<semaphore_mem>>
    tpu.enqueue_indirect_dma source(%dma_start3A_152 : memref<72x128xf32, #tpu.memory_space<vmem>>) target(%dma_start3A_157 : memref<10240x128xf32, #tpu.memory_space<vmem_shared>>) offsets(%dma_start3A_154 : memref<72xi32, #tpu.memory_space<vmem>>) semaphore(%dma_start3A_159 : memref<!tpu.dma_semaphore, #tpu.memory_space<semaphore_mem>>) {add = true}
    %dma_start3A_160 = arith.constant 0 : i32
    %dma_start3A_161 = arith.constant 9864 : i32
    %dma_start3A_162 = tpu.memref_slice %arg10[%dma_start3A_161] : memref<10000xi32, #tpu.memory_space<vmem>> -> memref<72xi32, #tpu.memory_space<vmem>>
    %dma_start3A_163 = arith.constant 0 : i32
    %dma_start3A_164 = tpu.memref_slice %arg14[%dma_start3A_163] : memref<10240xf32, #tpu.memory_space<vmem_shared>> -> memref<10240xf32, #tpu.memory_space<vmem_shared>>
    %dma_start3A_165 = tpu.memref_slice %arg17[%dma_start3A_160] : memref<3x!tpu.dma_semaphore, #tpu.memory_space<semaphore_mem>> -> memref<1x!tpu.dma_semaphore, #tpu.memory_space<semaphore_mem>>
    %dma_start3A_166 = tpu.memref_squeeze %dma_start3A_165 : memref<1x!tpu.dma_semaphore, #tpu.memory_space<semaphore_mem>> -> memref<!tpu.dma_semaphore, #tpu.memory_space<semaphore_mem>>
    tpu.enqueue_indirect_dma source(%arg12 : memref<72xf32, #tpu.memory_space<vmem>>) target(%dma_start3A_164 : memref<10240xf32, #tpu.memory_space<vmem_shared>>) offsets(%dma_start3A_162 : memref<72xi32, #tpu.memory_space<vmem>>) semaphore(%dma_start3A_166 : memref<!tpu.dma_semaphore, #tpu.memory_space<semaphore_mem>>) {add = true}
    %dma_wait3A_167 = arith.constant 1 : i32
    %dma_wait3A_168 = arith.constant 1 : i32
    %dma_wait3A_169 = arith.constant 0 : i32
    %dma_wait3A_170 = arith.constant 0 : i32
    %dma_wait3A_171 = tpu.memref_slice %arg11[%dma_wait3A_167, %dma_wait3A_169, %dma_wait3A_170] : memref<3x72x128xf32, #tpu.memory_space<vmem>> -> memref<1x72x128xf32, #tpu.memory_space<vmem>>
    %dma_wait3A_172 = tpu.memref_squeeze %dma_wait3A_171 : memref<1x72x128xf32, #tpu.memory_space<vmem>> -> memref<72x128xf32, #tpu.memory_space<vmem>>
    %dma_wait3A_173 = arith.constant 9792 : i32
    %dma_wait3A_174 = tpu.memref_slice %arg10[%dma_wait3A_173] : memref<10000xi32, #tpu.memory_space<vmem>> -> memref<72xi32, #tpu.memory_space<vmem>>
    %dma_wait3A_175 = arith.constant 0 : i32
    %dma_wait3A_176 = arith.constant 0 : i32
    %dma_wait3A_177 = tpu.memref_slice %arg13[%dma_wait3A_175, %dma_wait3A_176] : memref<10240x128xf32, #tpu.memory_space<vmem_shared>> -> memref<10240x128xf32, #tpu.memory_space<vmem_shared>>
    %dma_wait3A_178 = tpu.memref_slice %arg16[%dma_wait3A_168] : memref<3x!tpu.dma_semaphore, #tpu.memory_space<semaphore_mem>> -> memref<1x!tpu.dma_semaphore, #tpu.memory_space<semaphore_mem>>
    %dma_wait3A_179 = tpu.memref_squeeze %dma_wait3A_178 : memref<1x!tpu.dma_semaphore, #tpu.memory_space<semaphore_mem>> -> memref<!tpu.dma_semaphore, #tpu.memory_space<semaphore_mem>>
    tpu.wait_indirect_dma semaphore(%dma_wait3A_179 : memref<!tpu.dma_semaphore, #tpu.memory_space<semaphore_mem>>) src(%dma_wait3A_172 : memref<72x128xf32, #tpu.memory_space<vmem>>) dst(%dma_wait3A_177 : memref<10240x128xf32, #tpu.memory_space<vmem_shared>>)
    %dma_wait3A_180 = arith.constant 2 : i32
    %dma_wait3A_181 = arith.constant 2 : i32
    %dma_wait3A_182 = arith.constant 0 : i32
    %dma_wait3A_183 = arith.constant 0 : i32
    %dma_wait3A_184 = tpu.memref_slice %arg11[%dma_wait3A_180, %dma_wait3A_182, %dma_wait3A_183] : memref<3x72x128xf32, #tpu.memory_space<vmem>> -> memref<1x72x128xf32, #tpu.memory_space<vmem>>
    %dma_wait3A_185 = tpu.memref_squeeze %dma_wait3A_184 : memref<1x72x128xf32, #tpu.memory_space<vmem>> -> memref<72x128xf32, #tpu.memory_space<vmem>>
    %dma_wait3A_186 = arith.constant 9864 : i32
    %dma_wait3A_187 = tpu.memref_slice %arg10[%dma_wait3A_186] : memref<10000xi32, #tpu.memory_space<vmem>> -> memref<72xi32, #tpu.memory_space<vmem>>
    %dma_wait3A_188 = arith.constant 0 : i32
    %dma_wait3A_189 = arith.constant 0 : i32
    %dma_wait3A_190 = tpu.memref_slice %arg13[%dma_wait3A_188, %dma_wait3A_189] : memref<10240x128xf32, #tpu.memory_space<vmem_shared>> -> memref<10240x128xf32, #tpu.memory_space<vmem_shared>>
    %dma_wait3A_191 = tpu.memref_slice %arg16[%dma_wait3A_181] : memref<3x!tpu.dma_semaphore, #tpu.memory_space<semaphore_mem>> -> memref<1x!tpu.dma_semaphore, #tpu.memory_space<semaphore_mem>>
    %dma_wait3A_192 = tpu.memref_squeeze %dma_wait3A_191 : memref<1x!tpu.dma_semaphore, #tpu.memory_space<semaphore_mem>> -> memref<!tpu.dma_semaphore, #tpu.memory_space<semaphore_mem>>
    tpu.wait_indirect_dma semaphore(%dma_wait3A_192 : memref<!tpu.dma_semaphore, #tpu.memory_space<semaphore_mem>>) src(%dma_wait3A_185 : memref<72x128xf32, #tpu.memory_space<vmem>>) dst(%dma_wait3A_190 : memref<10240x128xf32, #tpu.memory_space<vmem_shared>>)
    %dma_start3A_193 = arith.constant 0 : i32
    %dma_start3A_194 = arith.constant 0 : i32
    %dma_start3A_195 = arith.constant 0 : i32
    %dma_start3A_196 = arith.constant 0 : i32
    %dma_start3A_197 = tpu.memref_slice %arg11[%dma_start3A_193, %dma_start3A_195, %dma_start3A_196] : memref<3x72x128xf32, #tpu.memory_space<vmem>> -> memref<1x64x128xf32, #tpu.memory_space<vmem>>
    %dma_start3A_198 = tpu.memref_squeeze %dma_start3A_197 : memref<1x64x128xf32, #tpu.memory_space<vmem>> -> memref<64x128xf32, #tpu.memory_space<vmem>>
    %dma_start3A_199 = arith.constant 9936 : i32
    %dma_start3A_200 = tpu.memref_slice %arg9[%dma_start3A_199] : memref<10000xi32, #tpu.memory_space<vmem>> -> memref<64xi32, #tpu.memory_space<vmem>>
    %dma_start3A_201 = arith.constant 0 : i32
    %dma_start3A_202 = arith.constant 0 : i32
    %dma_start3A_203 = tpu.memref_slice %arg2[%dma_start3A_201, %dma_start3A_202] : memref<10000x128xf32, #tpu.memory_space<hbm>> -> memref<10000x128xf32, #tpu.memory_space<hbm>>
    %dma_start3A_204 = tpu.memref_slice %arg15[%dma_start3A_194] : memref<3x!tpu.dma_semaphore, #tpu.memory_space<semaphore_mem>> -> memref<1x!tpu.dma_semaphore, #tpu.memory_space<semaphore_mem>>
    %dma_start3A_205 = tpu.memref_squeeze %dma_start3A_204 : memref<1x!tpu.dma_semaphore, #tpu.memory_space<semaphore_mem>> -> memref<!tpu.dma_semaphore, #tpu.memory_space<semaphore_mem>>
    tpu.enqueue_indirect_dma source(%dma_start3A_203 : memref<10000x128xf32, #tpu.memory_space<hbm>>) target(%dma_start3A_198 : memref<64x128xf32, #tpu.memory_space<vmem>>) offsets(%dma_start3A_200 : memref<64xi32, #tpu.memory_space<vmem>>) semaphore(%dma_start3A_205 : memref<!tpu.dma_semaphore, #tpu.memory_space<semaphore_mem>>)
    %dma_wait3A_206 = arith.constant 0 : i32
    %dma_wait3A_207 = arith.constant 0 : i32
    %dma_wait3A_208 = arith.constant 0 : i32
    %dma_wait3A_209 = arith.constant 0 : i32
    %dma_wait3A_210 = tpu.memref_slice %arg11[%dma_wait3A_206, %dma_wait3A_208, %dma_wait3A_209] : memref<3x72x128xf32, #tpu.memory_space<vmem>> -> memref<1x64x128xf32, #tpu.memory_space<vmem>>
    %dma_wait3A_211 = tpu.memref_squeeze %dma_wait3A_210 : memref<1x64x128xf32, #tpu.memory_space<vmem>> -> memref<64x128xf32, #tpu.memory_space<vmem>>
    %dma_wait3A_212 = arith.constant 9936 : i32
    %dma_wait3A_213 = tpu.memref_slice %arg9[%dma_wait3A_212] : memref<10000xi32, #tpu.memory_space<vmem>> -> memref<64xi32, #tpu.memory_space<vmem>>
    %dma_wait3A_214 = arith.constant 0 : i32
    %dma_wait3A_215 = arith.constant 0 : i32
    %dma_wait3A_216 = tpu.memref_slice %arg2[%dma_wait3A_214, %dma_wait3A_215] : memref<10000x128xf32, #tpu.memory_space<hbm>> -> memref<10000x128xf32, #tpu.memory_space<hbm>>
    %dma_wait3A_217 = tpu.memref_slice %arg15[%dma_wait3A_207] : memref<3x!tpu.dma_semaphore, #tpu.memory_space<semaphore_mem>> -> memref<1x!tpu.dma_semaphore, #tpu.memory_space<semaphore_mem>>
    %dma_wait3A_218 = tpu.memref_squeeze %dma_wait3A_217 : memref<1x!tpu.dma_semaphore, #tpu.memory_space<semaphore_mem>> -> memref<!tpu.dma_semaphore, #tpu.memory_space<semaphore_mem>>
    tpu.wait_indirect_dma semaphore(%dma_wait3A_218 : memref<!tpu.dma_semaphore, #tpu.memory_space<semaphore_mem>>) src(%dma_wait3A_216 : memref<10000x128xf32, #tpu.memory_space<hbm>>) dst(%dma_wait3A_211 : memref<64x128xf32, #tpu.memory_space<vmem>>)
    %run_scoped3A = arith.constant 0 : i32
    "tpu.region"() ({
      %run_scoped3A_237 = tpu.sem_alloc : memref<!tpu.dma_semaphore, #tpu.memory_space<semaphore_mem>>
      %dma_start3A_238 = arith.constant 0 : i32
      %dma_start3A_239 = arith.constant 0 : i32
      %dma_start3A_240 = tpu.memref_slice %arg11[%run_scoped3A, %dma_start3A_238, %dma_start3A_239] : memref<3x72x128xf32, #tpu.memory_space<vmem>> -> memref<1x64x128xf32, #tpu.memory_space<vmem>>
      %dma_start3A_241 = tpu.memref_squeeze %dma_start3A_240 : memref<1x64x128xf32, #tpu.memory_space<vmem>> -> memref<64x128xf32, #tpu.memory_space<vmem>>
      %dma_start3A_242 = arith.constant 9936 : i32
      %dma_start3A_243 = tpu.memref_slice %arg10[%dma_start3A_242] : memref<10000xi32, #tpu.memory_space<vmem>> -> memref<64xi32, #tpu.memory_space<vmem>>
      %dma_start3A_244 = arith.constant 0 : i32
      %dma_start3A_245 = arith.constant 0 : i32
      %dma_start3A_246 = tpu.memref_slice %arg13[%dma_start3A_244, %dma_start3A_245] : memref<10240x128xf32, #tpu.memory_space<vmem_shared>> -> memref<10240x128xf32, #tpu.memory_space<vmem_shared>>
      tpu.enqueue_indirect_dma source(%dma_start3A_241 : memref<64x128xf32, #tpu.memory_space<vmem>>) target(%dma_start3A_246 : memref<10240x128xf32, #tpu.memory_space<vmem_shared>>) offsets(%dma_start3A_243 : memref<64xi32, #tpu.memory_space<vmem>>) semaphore(%run_scoped3A_237 : memref<!tpu.dma_semaphore, #tpu.memory_space<semaphore_mem>>) {add = true}
      %dma_wait3A_247 = arith.constant 0 : i32
      %dma_wait3A_248 = arith.constant 0 : i32
      %dma_wait3A_249 = tpu.memref_slice %arg11[%run_scoped3A, %dma_wait3A_247, %dma_wait3A_248] : memref<3x72x128xf32, #tpu.memory_space<vmem>> -> memref<1x64x128xf32, #tpu.memory_space<vmem>>
      %dma_wait3A_250 = tpu.memref_squeeze %dma_wait3A_249 : memref<1x64x128xf32, #tpu.memory_space<vmem>> -> memref<64x128xf32, #tpu.memory_space<vmem>>
      %dma_wait3A_251 = arith.constant 9936 : i32
      %dma_wait3A_252 = tpu.memref_slice %arg10[%dma_wait3A_251] : memref<10000xi32, #tpu.memory_space<vmem>> -> memref<64xi32, #tpu.memory_space<vmem>>
      %dma_wait3A_253 = arith.constant 0 : i32
      %dma_wait3A_254 = arith.constant 0 : i32
      %dma_wait3A_255 = tpu.memref_slice %arg13[%dma_wait3A_253, %dma_wait3A_254] : memref<10240x128xf32, #tpu.memory_space<vmem_shared>> -> memref<10240x128xf32, #tpu.memory_space<vmem_shared>>
      tpu.wait_indirect_dma semaphore(%run_scoped3A_237 : memref<!tpu.dma_semaphore, #tpu.memory_space<semaphore_mem>>) src(%dma_wait3A_250 : memref<64x128xf32, #tpu.memory_space<vmem>>) dst(%dma_wait3A_255 : memref<10240x128xf32, #tpu.memory_space<vmem_shared>>)
      tpu.yield
    }) : () -> ()
    "tpu.region"() ({
      %run_scoped3A_237 = tpu.sem_alloc : memref<!tpu.dma_semaphore, #tpu.memory_space<semaphore_mem>>
      %dma_start3A_238 = arith.constant 0 : i32
      %dma_start3A_239 = tpu.memref_slice %arg12[%dma_start3A_238] : memref<72xf32, #tpu.memory_space<vmem>> -> memref<64xf32, #tpu.memory_space<vmem>>
      %dma_start3A_240 = arith.constant 9936 : i32
      %dma_start3A_241 = tpu.memref_slice %arg10[%dma_start3A_240] : memref<10000xi32, #tpu.memory_space<vmem>> -> memref<64xi32, #tpu.memory_space<vmem>>
      %dma_start3A_242 = arith.constant 0 : i32
      %dma_start3A_243 = tpu.memref_slice %arg14[%dma_start3A_242] : memref<10240xf32, #tpu.memory_space<vmem_shared>> -> memref<10240xf32, #tpu.memory_space<vmem_shared>>
      tpu.enqueue_indirect_dma source(%dma_start3A_239 : memref<64xf32, #tpu.memory_space<vmem>>) target(%dma_start3A_243 : memref<10240xf32, #tpu.memory_space<vmem_shared>>) offsets(%dma_start3A_241 : memref<64xi32, #tpu.memory_space<vmem>>) semaphore(%run_scoped3A_237 : memref<!tpu.dma_semaphore, #tpu.memory_space<semaphore_mem>>) {add = true}
      %dma_wait3A_244 = arith.constant 0 : i32
      %dma_wait3A_245 = tpu.memref_slice %arg12[%dma_wait3A_244] : memref<72xf32, #tpu.memory_space<vmem>> -> memref<64xf32, #tpu.memory_space<vmem>>
      %dma_wait3A_246 = arith.constant 9936 : i32
      %dma_wait3A_247 = tpu.memref_slice %arg10[%dma_wait3A_246] : memref<10000xi32, #tpu.memory_space<vmem>> -> memref<64xi32, #tpu.memory_space<vmem>>
      %dma_wait3A_248 = arith.constant 0 : i32
      %dma_wait3A_249 = tpu.memref_slice %arg14[%dma_wait3A_248] : memref<10240xf32, #tpu.memory_space<vmem_shared>> -> memref<10240xf32, #tpu.memory_space<vmem_shared>>
      tpu.wait_indirect_dma semaphore(%run_scoped3A_237 : memref<!tpu.dma_semaphore, #tpu.memory_space<semaphore_mem>>) src(%dma_wait3A_245 : memref<64xf32, #tpu.memory_space<vmem>>) dst(%dma_wait3A_249 : memref<10240xf32, #tpu.memory_space<vmem_shared>>)
      tpu.yield
    }) : () -> ()
    %scan3A_219 = arith.constant 0 : i32
    %scan3A_220 = arith.constant 0 : i32
    %scan3A_221 = arith.constant 138 : i32
    %scan3A_222 = arith.addi %scan3A_220, %scan3A_221 : i32
    %scan3A_223 = arith.constant 1 : i32
    scf.for %scan3A_237 = %scan3A_220 to %scan3A_222 step %scan3A_223  : i32 {
      %dma_wait3A_238 = arith.constant 0 : i32
      %dma_wait3A_239 = arith.constant 0 : i32
      %dma_wait3A_240 = tpu.memref_slice %arg10[%dma_wait3A_239] : memref<10000xi32, #tpu.memory_space<vmem>> -> memref<72xi32, #tpu.memory_space<vmem>>
      %dma_wait3A_241 = arith.constant 0 : i32
      %dma_wait3A_242 = tpu.memref_slice %arg14[%dma_wait3A_241] : memref<10240xf32, #tpu.memory_space<vmem_shared>> -> memref<10240xf32, #tpu.memory_space<vmem_shared>>
      %dma_wait3A_243 = tpu.memref_slice %arg17[%dma_wait3A_238] : memref<3x!tpu.dma_semaphore, #tpu.memory_space<semaphore_mem>> -> memref<1x!tpu.dma_semaphore, #tpu.memory_space<semaphore_mem>>
      %dma_wait3A_244 = tpu.memref_squeeze %dma_wait3A_243 : memref<1x!tpu.dma_semaphore, #tpu.memory_space<semaphore_mem>> -> memref<!tpu.dma_semaphore, #tpu.memory_space<semaphore_mem>>
      tpu.wait_indirect_dma semaphore(%dma_wait3A_244 : memref<!tpu.dma_semaphore, #tpu.memory_space<semaphore_mem>>) src(%arg12 : memref<72xf32, #tpu.memory_space<vmem>>) dst(%dma_wait3A_242 : memref<10240xf32, #tpu.memory_space<vmem_shared>>)
    }
    %scan3A_224 = arith.constant 138 : i32
    %barrier3A_225 = arith.constant 0 : index
    tpu.barrier barrier_id(%barrier3A_225)
    %mul3A_226 = arith.constant 640 : i32
    %mul3A_227 = arith.muli %arg1, %mul3A_226 : i32
    %mul3A_228 = arith.constant 640 : i32
    %mul3A_229 = arith.muli %arg1, %mul3A_228 : i32
    "tpu.region"() ({
      %run_scoped3A_237 = tpu.sem_alloc : memref<!tpu.dma_semaphore, #tpu.memory_space<semaphore_mem>>
      %dma_start3A_238 = arith.constant 0 : i32
      %dma_start3A_239 = tpu.memref_slice %arg7[%arg0, %mul3A_229, %dma_start3A_238] : memref<2x10240x128xf32, #tpu.memory_space<hbm>> -> memref<1x640x128xf32, #tpu.memory_space<hbm>>
      %dma_start3A_240 = tpu.memref_squeeze %dma_start3A_239 : memref<1x640x128xf32, #tpu.memory_space<hbm>> -> memref<640x128xf32, #tpu.memory_space<hbm>>
      %dma_start3A_241 = arith.constant 0 : i32
      %dma_start3A_242 = tpu.memref_slice %arg13[%mul3A_227, %dma_start3A_241] : memref<10240x128xf32, #tpu.memory_space<vmem_shared>> -> memref<640x128xf32, #tpu.memory_space<vmem_shared>>
      tpu.enqueue_dma source(%dma_start3A_242 : memref<640x128xf32, #tpu.memory_space<vmem_shared>>) target(%dma_start3A_240 : memref<640x128xf32, #tpu.memory_space<hbm>>) target_semaphore(%run_scoped3A_237 : memref<!tpu.dma_semaphore, #tpu.memory_space<semaphore_mem>>)
      %dma_wait3A_243 = arith.constant 0 : i32
      %dma_wait3A_244 = tpu.memref_slice %arg7[%arg0, %mul3A_229, %dma_wait3A_243] : memref<2x10240x128xf32, #tpu.memory_space<hbm>> -> memref<1x640x128xf32, #tpu.memory_space<hbm>>
      %dma_wait3A_245 = tpu.memref_squeeze %dma_wait3A_244 : memref<1x640x128xf32, #tpu.memory_space<hbm>> -> memref<640x128xf32, #tpu.memory_space<hbm>>
      %dma_wait3A_246 = arith.constant 0 : i32
      %dma_wait3A_247 = tpu.memref_slice %arg13[%mul3A_227, %dma_wait3A_246] : memref<10240x128xf32, #tpu.memory_space<vmem_shared>> -> memref<640x128xf32, #tpu.memory_space<vmem_shared>>
      tpu.wait_dma2 semaphore(%run_scoped3A_237 : memref<!tpu.dma_semaphore, #tpu.memory_space<semaphore_mem>>) src(%dma_wait3A_247 : memref<640x128xf32, #tpu.memory_space<vmem_shared>>) dst(%dma_wait3A_245 : memref<640x128xf32, #tpu.memory_space<hbm>>)
      tpu.yield
    }) : () -> ()
    %mul3A_230 = arith.constant 640 : i32
    %mul3A_231 = arith.muli %arg1, %mul3A_230 : i32
    %mul3A_232 = arith.constant 10240 : i32
    %mul3A_233 = arith.muli %arg0, %mul3A_232 : i32
    %mul3A_234 = arith.constant 640 : i32
    %mul3A_235 = arith.muli %arg1, %mul3A_234 : i32
    %add3A_236 = arith.addi %mul3A_233, %mul3A_235 : i32
    "tpu.region"() ({
      %run_scoped3A_237 = tpu.sem_alloc : memref<!tpu.dma_semaphore, #tpu.memory_space<semaphore_mem>>
      %dma_start3A_238 = tpu.memref_slice %arg8[%add3A_236] : memref<20480xf32, #tpu.memory_space<hbm>> -> memref<640xf32, #tpu.memory_space<hbm>>
      %dma_start3A_239 = tpu.memref_slice %arg14[%mul3A_231] : memref<10240xf32, #tpu.memory_space<vmem_shared>> -> memref<640xf32, #tpu.memory_space<vmem_shared>>
      tpu.enqueue_dma source(%dma_start3A_239 : memref<640xf32, #tpu.memory_space<vmem_shared>>) target(%dma_start3A_238 : memref<640xf32, #tpu.memory_space<hbm>>) target_semaphore(%run_scoped3A_237 : memref<!tpu.dma_semaphore, #tpu.memory_space<semaphore_mem>>)
      %dma_wait3A_240 = tpu.memref_slice %arg8[%add3A_236] : memref<20480xf32, #tpu.memory_space<hbm>> -> memref<640xf32, #tpu.memory_space<hbm>>
      %dma_wait3A_241 = tpu.memref_slice %arg14[%mul3A_231] : memref<10240xf32, #tpu.memory_space<vmem_shared>> -> memref<640xf32, #tpu.memory_space<vmem_shared>>
      tpu.wait_dma2 semaphore(%run_scoped3A_237 : memref<!tpu.dma_semaphore, #tpu.memory_space<semaphore_mem>>) src(%dma_wait3A_241 : memref<640xf32, #tpu.memory_space<vmem_shared>>) dst(%dma_wait3A_240 : memref<640xf32, #tpu.memory_space<hbm>>)
      tpu.yield
    }) : () -> ()
    return
  }
}

module attributes {stable_mosaic.version = 14 : i64} {
  func.func @_tc_finish_body(%arg0: i32, %arg1: memref<2x2048x128xf32, #tpu.memory_space<vmem>>, %arg2: memref<2x16x128xf32, #tpu.memory_space<vmem>>, %arg3: memref<2048x128xf32, #tpu.memory_space<vmem>>, %arg4: memref<128x128xf32, #tpu.memory_space<vmem>>, %arg5: memref<1x128xf32, #tpu.memory_space<vmem>>, %arg6: memref<128x128xf32, #tpu.memory_space<vmem>>, %arg7: memref<2048x128xf32, #tpu.memory_space<vmem>>) attributes {dimension_semantics = [#tpu.dimension_semantics<arbitrary>], iteration_bounds = array<i64: 5>, scalar_prefetch = 0 : i64, scratch_operands = 0 : i64, tpu.core_type = #tpu.core_type<tc>, window_params = [{transform_indices = @transform_0, window_bounds = array<i64: 2, 2048, 128>}, {transform_indices = @transform_1, window_bounds = array<i64: 2, 16, 128>}, {transform_indices = @transform_2, window_bounds = array<i64: 2048, 128>}, {pipeline_mode = #tpu.pipeline_mode<synchronous>, transform_indices = @transform_3, window_bounds = array<i64: 128, 128>}, {pipeline_mode = #tpu.pipeline_mode<synchronous>, transform_indices = @transform_4, window_bounds = array<i64: 1, 128>}, {pipeline_mode = #tpu.pipeline_mode<synchronous>, transform_indices = @transform_5, window_bounds = array<i64: 128, 128>}, {transform_indices = @transform_6, window_bounds = array<i64: 2048, 128>}]} {
    %get3A = arith.constant 0 : index
    %get3A_0 = arith.constant 0 : index
    %get3A_1 = arith.constant 0 : index
    %get3A_2 = vector.load %arg1[%get3A, %get3A_0, %get3A_1] : memref<2x2048x128xf32, #tpu.memory_space<vmem>>, vector<1x2048x128xf32>
    %get3A_3 = vector.shape_cast %get3A_2 : vector<1x2048x128xf32> to vector<2048x128xf32>
    %get3A_4 = arith.constant 1 : index
    %get3A_5 = arith.constant 0 : index
    %get3A_6 = arith.constant 0 : index
    %get3A_7 = vector.load %arg1[%get3A_4, %get3A_5, %get3A_6] : memref<2x2048x128xf32, #tpu.memory_space<vmem>>, vector<1x2048x128xf32>
    %get3A_8 = vector.shape_cast %get3A_7 : vector<1x2048x128xf32> to vector<2048x128xf32>
    %add3A = arith.addf %get3A_3, %get3A_8 : vector<2048x128xf32>
    %get3A_9 = arith.constant 0 : index
    %get3A_10 = arith.constant 0 : index
    %get3A_11 = arith.constant 0 : index
    %get3A_12 = vector.load %arg2[%get3A_9, %get3A_10, %get3A_11] : memref<2x16x128xf32, #tpu.memory_space<vmem>>, vector<1x16x128xf32>
    %get3A_13 = vector.shape_cast %get3A_12 : vector<1x16x128xf32> to vector<16x128xf32>
    %get3A_14 = arith.constant 1 : index
    %get3A_15 = arith.constant 0 : index
    %get3A_16 = arith.constant 0 : index
    %get3A_17 = vector.load %arg2[%get3A_14, %get3A_15, %get3A_16] : memref<2x16x128xf32, #tpu.memory_space<vmem>>, vector<1x16x128xf32>
    %get3A_18 = vector.shape_cast %get3A_17 : vector<1x16x128xf32> to vector<16x128xf32>
    %add3A_19 = arith.addf %get3A_13, %get3A_18 : vector<16x128xf32>
    %transpose3A = tpu.transpose %add3A_19, [1, 0] : vector<16x128xf32> -> vector<128x16xf32>
    %slice3A = vector.extract_strided_slice %transpose3A {offsets = [0, 0], sizes = [128, 1], strides = [1, 1]} : vector<128x16xf32> to vector<128x1xf32>
    %slice3A_20 = vector.extract_strided_slice %transpose3A {offsets = [0, 1], sizes = [128, 1], strides = [1, 1]} : vector<128x16xf32> to vector<128x1xf32>
    %slice3A_21 = vector.extract_strided_slice %transpose3A {offsets = [0, 2], sizes = [128, 1], strides = [1, 1]} : vector<128x16xf32> to vector<128x1xf32>
    %slice3A_22 = vector.extract_strided_slice %transpose3A {offsets = [0, 3], sizes = [128, 1], strides = [1, 1]} : vector<128x16xf32> to vector<128x1xf32>
    %slice3A_23 = vector.extract_strided_slice %transpose3A {offsets = [0, 4], sizes = [128, 1], strides = [1, 1]} : vector<128x16xf32> to vector<128x1xf32>
    %slice3A_24 = vector.extract_strided_slice %transpose3A {offsets = [0, 5], sizes = [128, 1], strides = [1, 1]} : vector<128x16xf32> to vector<128x1xf32>
    %slice3A_25 = vector.extract_strided_slice %transpose3A {offsets = [0, 6], sizes = [128, 1], strides = [1, 1]} : vector<128x16xf32> to vector<128x1xf32>
    %slice3A_26 = vector.extract_strided_slice %transpose3A {offsets = [0, 7], sizes = [128, 1], strides = [1, 1]} : vector<128x16xf32> to vector<128x1xf32>
    %slice3A_27 = vector.extract_strided_slice %transpose3A {offsets = [0, 8], sizes = [128, 1], strides = [1, 1]} : vector<128x16xf32> to vector<128x1xf32>
    %slice3A_28 = vector.extract_strided_slice %transpose3A {offsets = [0, 9], sizes = [128, 1], strides = [1, 1]} : vector<128x16xf32> to vector<128x1xf32>
    %slice3A_29 = vector.extract_strided_slice %transpose3A {offsets = [0, 10], sizes = [128, 1], strides = [1, 1]} : vector<128x16xf32> to vector<128x1xf32>
    %slice3A_30 = vector.extract_strided_slice %transpose3A {offsets = [0, 11], sizes = [128, 1], strides = [1, 1]} : vector<128x16xf32> to vector<128x1xf32>
    %slice3A_31 = vector.extract_strided_slice %transpose3A {offsets = [0, 12], sizes = [128, 1], strides = [1, 1]} : vector<128x16xf32> to vector<128x1xf32>
    %slice3A_32 = vector.extract_strided_slice %transpose3A {offsets = [0, 13], sizes = [128, 1], strides = [1, 1]} : vector<128x16xf32> to vector<128x1xf32>
    %slice3A_33 = vector.extract_strided_slice %transpose3A {offsets = [0, 14], sizes = [128, 1], strides = [1, 1]} : vector<128x16xf32> to vector<128x1xf32>
    %slice3A_34 = vector.extract_strided_slice %transpose3A {offsets = [0, 15], sizes = [128, 1], strides = [1, 1]} : vector<128x16xf32> to vector<128x1xf32>
    %concatenate3A = tpu.concatenate %slice3A, %slice3A_20, %slice3A_21, %slice3A_22, %slice3A_23, %slice3A_24, %slice3A_25, %slice3A_26, %slice3A_27, %slice3A_28, %slice3A_29, %slice3A_30, %slice3A_31, %slice3A_32, %slice3A_33, %slice3A_34 in 0 : vector<128x1xf32>, vector<128x1xf32>, vector<128x1xf32>, vector<128x1xf32>, vector<128x1xf32>, vector<128x1xf32>, vector<128x1xf32>, vector<128x1xf32>, vector<128x1xf32>, vector<128x1xf32>, vector<128x1xf32>, vector<128x1xf32>, vector<128x1xf32>, vector<128x1xf32>, vector<128x1xf32>, vector<128x1xf32> -> vector<2048x1xf32>
    %max3A = arith.constant 1.000000e+00 : f32
    %max3A_35 = vector.broadcast %max3A : f32 to vector<2048x1xf32>
    %max3A_36 = arith.maximumf %concatenate3A, %max3A_35 : vector<2048x1xf32>
    %div3A = vector.broadcast %max3A_36 : vector<2048x1xf32> to vector<2048x128xf32>
    %div3A_37 = arith.divf %add3A, %div3A : vector<2048x128xf32>
    %get3A_38 = arith.constant 0 : index
    %get3A_39 = arith.constant 0 : index
    %get3A_40 = vector.load %arg4[%get3A_38, %get3A_39] : memref<128x128xf32, #tpu.memory_space<vmem>>, vector<128x128xf32>
    %dot_general3A = arith.constant dense<0.000000e+00> : vector<2048x128xf32>
    %dot_general3A_41 = tpu.matmul %div3A_37, %get3A_40, %dot_general3A {dimension_numbers = #tpu.dot_dimension_numbers<[1], [1], [0], [0], [0, 0, 1, 0], [], []>, transpose_lhs_hint = false} : vector<2048x128xf32>, vector<128x128xf32>, vector<2048x128xf32> -> vector<2048x128xf32>
    %get3A_42 = arith.constant 0 : index
    %get3A_43 = arith.constant 0 : index
    %get3A_44 = vector.load %arg3[%get3A_42, %get3A_43] : memref<2048x128xf32, #tpu.memory_space<vmem>>, vector<2048x128xf32>
    %get3A_45 = arith.constant 0 : index
    %get3A_46 = arith.constant 0 : index
    %get3A_47 = vector.load %arg6[%get3A_45, %get3A_46] : memref<128x128xf32, #tpu.memory_space<vmem>>, vector<128x128xf32>
    %dot_general3A_48 = arith.constant dense<0.000000e+00> : vector<2048x128xf32>
    %dot_general3A_49 = tpu.matmul %get3A_44, %get3A_47, %dot_general3A_48 {dimension_numbers = #tpu.dot_dimension_numbers<[1], [1], [0], [0], [0, 0, 1, 0], [], []>, transpose_lhs_hint = false} : vector<2048x128xf32>, vector<128x128xf32>, vector<2048x128xf32> -> vector<2048x128xf32>
    %add3A_50 = arith.addf %dot_general3A_41, %dot_general3A_49 : vector<2048x128xf32>
    %get3A_51 = arith.constant 0 : index
    %get3A_52 = arith.constant 0 : index
    %get3A_53 = vector.load %arg5[%get3A_51, %get3A_52] : memref<1x128xf32, #tpu.memory_space<vmem>>, vector<1x128xf32>
    %add3A_54 = vector.broadcast %get3A_53 : vector<1x128xf32> to vector<2048x128xf32>
    %add3A_55 = arith.addf %add3A_50, %add3A_54 : vector<2048x128xf32>
    %mul3A = arith.mulf %add3A_55, %add3A_55 : vector<2048x128xf32>
    %reduce_sum3A = arith.constant dense<0.000000e+00> : vector<2048xf32>
    %reduce_sum3A_56 = vector.multi_reduction <add>, %mul3A, %reduce_sum3A [1] : vector<2048x128xf32> to vector<2048xf32>
    %broadcast_in_dim3A = vector.shape_cast %reduce_sum3A_56 : vector<2048xf32> to vector<2048x1xf32>
    %sqrt3A = math.sqrt %broadcast_in_dim3A : vector<2048x1xf32>
    %max3A_57 = arith.constant 9.99999996E-13 : f32
    %max3A_58 = vector.broadcast %max3A_57 : f32 to vector<2048x1xf32>
    %max3A_59 = arith.maximumf %sqrt3A, %max3A_58 : vector<2048x1xf32>
    %div3A_60 = vector.broadcast %max3A_59 : vector<2048x1xf32> to vector<2048x128xf32>
    %div3A_61 = arith.divf %add3A_55, %div3A_60 : vector<2048x128xf32>
    %swap3A = arith.constant 0 : index
    %swap3A_62 = arith.constant 0 : index
    %swap3A_63 = vector.load %arg7[%swap3A, %swap3A_62] : memref<2048x128xf32, #tpu.memory_space<vmem>>, vector<2048x128xf32>
    tpu.vector_store %arg7[%swap3A, %swap3A_62], %div3A_61 {strides = array<i32>} : memref<2048x128xf32, #tpu.memory_space<vmem>>, vector<2048x128xf32>,
    return
  }
  func.func @transform_0(%arg0: i32) -> (i32, i32, i32) {
    %c0_i32 = arith.constant 0 : i32
    %c0_i32_0 = arith.constant 0 : i32
    %c0_i32_1 = arith.constant 0 : i32
    return %c0_i32, %arg0, %c0_i32_0 : i32, i32, i32
  }
  func.func @transform_1(%arg0: i32) -> (i32, i32, i32) {
    %c0_i32 = arith.constant 0 : i32
    %c0_i32_0 = arith.constant 0 : i32
    %c0_i32_1 = arith.constant 0 : i32
    return %c0_i32, %arg0, %c0_i32_0 : i32, i32, i32
  }
  func.func @transform_2(%arg0: i32) -> (i32, i32) {
    %c0_i32 = arith.constant 0 : i32
    %c0_i32_0 = arith.constant 0 : i32
    return %arg0, %c0_i32 : i32, i32
  }
  func.func @transform_3(%arg0: i32) -> (i32, i32) {
    %c0_i32 = arith.constant 0 : i32
    %c0_i32_0 = arith.constant 0 : i32
    %c0_i32_1 = arith.constant 0 : i32
    return %c0_i32, %c0_i32_0 : i32, i32
  }
  func.func @transform_4(%arg0: i32) -> (i32, i32) {
    %c0_i32 = arith.constant 0 : i32
    %c0_i32_0 = arith.constant 0 : i32
    %c0_i32_1 = arith.constant 0 : i32
    return %c0_i32, %c0_i32_0 : i32, i32
  }
  func.func @transform_5(%arg0: i32) -> (i32, i32) {
    %c0_i32 = arith.constant 0 : i32
    %c0_i32_0 = arith.constant 0 : i32
    %c0_i32_1 = arith.constant 0 : i32
    return %c0_i32, %c0_i32_0 : i32, i32
  }
  func.func @transform_6(%arg0: i32) -> (i32, i32) {
    %c0_i32 = arith.constant 0 : i32
    %c0_i32_0 = arith.constant 0 : i32
    return %arg0, %c0_i32 : i32, i32
  }
}

</mosaic_0001>

<sc_bundles>
// kernel: kernel.4.cloned.1.call-start
scs
__scs_entry_jumppad:
0x0: {  	(pc) =	sbr.rel $0x88, $3  }
0x1: {  	(tag) =	ssettag $0x0;
	lr =	simm.s32 $0x1  }
0x2: {  	[smem:$0x3F9C] =	sst lr;
	_ =	strace $0xD0000000  }
0x3: {  	_ = 	snop  }
0x4: {  	_ = 	snop  }
0x5: {  	_ = 	snop  }
0x6: {  	_ = 	snop  }
0x7: {  	_ = 	snop  }
__scs_overlays_trampoline_lowered:
0x8: {  	[smem:$0x3FAB] =	sst s0  }
0x9: {  	[smem:$0x3FAC] =	sst s1  }
0xa: {  	[smem:$0x3FAD] =	sst s2  }
0xb: {  	[smem:$0x3FAE] =	sst s3  }
0xc: {  	[smem:$0x3FAF] =	sst s4  }
0xd: {  	[smem:$0x3FB0] =	sst s5  }
0xe: {  	[smem:$0x3FB1] =	sst s6  }
0xf: {  	[smem:$0x3FB2] =	sst s7  }
0x10: {  	[smem:$0x3FB3] =	sst s8  }
0x11: {  	[smem:$0x3FB4] =	sst s9;
	s0 =	simm.s32 @!p0 $0x0  }
0x12: {  	s1 =	sld [smem:$0x3F9A];
	s0 =	simm.s32 @p0 $0x1  }
0x13: {  	[smem:$0x3FB5] =	sst s0;
	s0 =	simm.s32 @!p1 $0x0  }
0x14: {  	s2 =	sld [smem:$0x3F99];
	s0 =	simm.s32 @p1 $0x1  }
0x15: {  	[smem:$0x3FB6] =	sst s0;
	s0 =	simm.s32 @!p2 $0x0  }
0x16: {  	s3 =	sld [smem:$0x3FDB];
	s0 =	simm.s32 @p2 $0x1  }
0x17: {  	s4 =	simm.s32 $0x1BF5;
	[smem:$0x3FB8] =	sst s0  }
0x18: {  	s0 =	sld [smem:$0x3F9B];
	_ =	swait.ge [sflag:s4], $0x0  }
0x19: {  	s7 =	sld [smem:$0x3F9C]  }
0x1a: {  	s8 =	sadd.s32 $0xFFFFE003, lr  }
0x1b: {  	s9 =	sadd.s32 $0xFFFFFEF7, lr;
	s5 =	simm.s32 $0xFFFFFFFF;
	p2 =	slt.u32 s8, $0xFFFFF086  }
0x1c: {  	p1 =	slt.u32 s9, $0xF7A;
	s5 =	simm.s32 @!p2 $0x0  }
0x1d: {  	s5 =	simm.s32 @p1 $0x1;
	p0 =	seq.s32 s7, s2  }
0x1e: {  	s7 =	smul.u32 @!p0 $0xF7A, s2;
	p2 =	seq.s32 @!p0 s5, $0x0  }
0x1f: {  	s9 =	smul.u32 $0xF7A, s1;
	s8 =	simm.s32 @!p0 $0x1BF5;
	p2 =	por !p2, p0  }
0x20: {  	[sflag:s8] =	ssyncset.s32 @!p0 $0xFFFFF086;
	s6 =	sadd.s32 @!p0 s3, s7;
	s7 =	simm.s32 @!p0 $0x108  }
0x21: {  	s3 =	sadd.s32 s3, s9;
	s6 =	sadd.s32 @!p0 $0x88, s6;
	s7 =	simm.s32 @p2 $0x1082  }
0x22: {  	[simem:s7], [sflag:s8] =	dma.local @!p0 [hbm:s6], $0xF7A  }
0x23: {  	s9 =	sor.u32 $0xD0000000, s2;
	s6 =	simm.s32 $0x108;
	_ =	swait.ge @!p0 [sflag:s8], $0x0  }
0x24: {  	s3 =	sadd.s32 $0x88, s3;
	s6 =	simm.s32 @!p1 $0x1082;
	[sflag:s4] =	ssyncset.s32 $0xFFFFF086  }
0x25: {  	[simem:s6], [sflag:s4] =	dma.local [hbm:s3], $0xF7A  }
0x26: {  	[smem:$0x3F9C] =	sst s1;
	(tag) =	ssettag s2;
	_ =	strace s9  }
0x27: {  	s1 =	sld [smem:$0x3FAC]  }
0x28: {  	s2 =	sld [smem:$0x3FAD]  }
0x29: {  	s4 =	sld [smem:$0x3FAF]  }
0x2a: {  	p0 =	seq.s32 s5, $0x0;
	s5 =	sld [smem:$0x3FB0]  }
0x2b: {  	s6 =	sld [smem:$0x3FB1]  }
0x2c: {  	s7 =	sld [smem:$0x3FB2]  }
0x2d: {  	s3 =	simm.s32 $0x108;
	s8 =	sld [smem:$0x3FB3]  }
0x2e: {  	s3 =	simm.s32 @!p0 $0x1082;
	s9 =	sld [smem:$0x3FB4]  }
0x2f: {  	lr =	sadd.s32 s0, s3;
	s0 =	sld [smem:$0x3FAB]  }
0x30: {  	s3 =	sld [smem:$0x3FAE]  }
0x31: {  	[smem:$0x3FB7] =	sst s10  }
0x32: {  	s10 =	sld [smem:$0x3FB5];
	_ =	sdelay $0x3  }
0x33: {  	p0 =	seq.s32 s10, $0x1;
	s10 =	sld [smem:$0x3FB7];
	_ =	sdelay $0x3  }
0x34: {  	[smem:$0x3FB7] =	sst s10  }
0x35: {  	s10 =	sld [smem:$0x3FB6];
	_ =	sdelay $0x3  }
0x36: {  	p1 =	seq.s32 s10, $0x1;
	s10 =	sld [smem:$0x3FB7];
	_ =	sdelay $0x3  }
0x37: {  	[smem:$0x3FB7] =	sst s10  }
0x38: {  	s10 =	sld [smem:$0x3FB8]  }
0x39: {  	_ = 	snop;
	(pc) =	sbr.ind lr, $3  }
0x3a: {  	_ = 	snop  }
0x3b: {  	_ = 	snop  }
0x3c: {  	p2 =	seq.s32 s10, $0x1;
	s10 =	sld [smem:$0x3FB7]  }
0x3d: {  	_ =	shalt  }
0x3e: {  	_ =	shalt  }
0x3f: {  	_ =	shalt  }
0x40: {  	_ =	shalt  }
0x41: {  	_ =	shalt  }
0x42: {  	_ =	shalt  }
0x43: {  	_ =	shalt  }
0x44: {  	_ =	shalt  }
0x45: {  	_ =	shalt  }
0x46: {  	_ =	shalt  }
0x47: {  	_ =	shalt  }
0x48: {  	_ =	shalt  }
0x49: {  	_ =	shalt  }
0x4a: {  	_ =	shalt  }
0x4b: {  	_ =	shalt  }
0x4c: {  	_ =	shalt  }
0x4d: {  	_ =	shalt  }
0x4e: {  	_ =	shalt  }
0x4f: {  	_ =	shalt  }
0x50: {  	_ =	shalt  }
0x51: {  	_ =	shalt  }
0x52: {  	_ =	shalt  }
0x53: {  	_ =	shalt  }
0x54: {  	_ =	shalt  }
0x55: {  	_ =	shalt  }
0x56: {  	_ =	shalt  }
0x57: {  	_ =	shalt  }
0x58: {  	_ =	shalt  }
0x59: {  	_ =	shalt  }
0x5a: {  	_ =	shalt  }
0x5b: {  	_ =	shalt  }
0x5c: {  	_ =	shalt  }
0x5d: {  	_ =	shalt  }
0x5e: {  	_ =	shalt  }
0x5f: {  	_ =	shalt  }
0x60: {  	_ =	shalt  }
0x61: {  	_ =	shalt  }
0x62: {  	_ =	shalt  }
0x63: {  	_ =	shalt  }
0x64: {  	_ =	shalt  }
0x65: {  	_ =	shalt  }
0x66: {  	_ =	shalt  }
0x67: {  	_ =	shalt  }
0x68: {  	_ =	shalt  }
0x69: {  	_ =	shalt  }
0x6a: {  	_ =	shalt  }
0x6b: {  	_ =	shalt  }
0x6c: {  	_ =	shalt  }
0x6d: {  	_ =	shalt  }
0x6e: {  	_ =	shalt  }
0x6f: {  	_ =	shalt  }
0x70: {  	_ =	shalt  }
0x71: {  	_ =	shalt  }
0x72: {  	_ =	shalt  }
0x73: {  	_ =	shalt  }
0x74: {  	_ =	shalt  }
0x75: {  	_ =	shalt  }
0x76: {  	_ =	shalt  }
0x77: {  	_ =	shalt  }
0x78: {  	_ =	shalt  }
0x79: {  	_ =	shalt  }
0x7a: {  	_ =	shalt  }
0x7b: {  	_ =	shalt  }
0x7c: {  	_ =	shalt  }
0x7d: {  	_ =	shalt  }
0x7e: {  	_ =	shalt  }
0x7f: {  	_ =	shalt  }
0x80: {  	_ =	shalt  }
0x81: {  	_ =	shalt  }
0x82: {  	_ =	shalt  }
0x83: {  	_ =	shalt  }
0x84: {  	_ =	shalt  }
0x85: {  	_ =	shalt  }
0x86: {  	_ =	shalt  }
0x87: {  	_ =	shalt  }
.Lfunc_end0:
.L_simem_size_0:
called_computation_lowered:
.L_overlay_start_0:
0x88: {  	s2 =	sld [smem:$0x3FD9]  }
0x89: {  	s3 =	sld [smem:$0x3FFE];
	_ =	sdelay $0x1  }
0x8a: {  	s1 =	srdreg.scid  }
0x8b: {  	s0 =	sand.u32 $0x1, s1  }
0x8c: {  	s17 =	sshll.u32 s0, $0xA;
	s2 =	sadd.s32 s3, s2  }
0x8d: {  	s2 =	sadd.s32 s2, s17  }
0x8e: {  	[smem:$0x3FC3] =	sst s2  }
0x8f: {  	_ = 	snop  }
0x90: {  	s2 =	sld [smem:$0x3FC9]  }
0x91: {  	s18 =	sld [smem:$0x3FD0];
	(tm) =	ssettm $0x1  }
0x92: {  	s4 =	sld [smem:$0x3FFB];
	_ =	sdelay $0x3  }
0x93: {  	_ =	strace s4  }
0x94: {  	s4 =	sld [smem:$0x3FFC];
	_ =	sdelay $0x3  }
0x95: {  	_ =	strace s4  }
0x96: {  	s4 =	sld [smem:$0x3FFD];
	_ =	sdelay $0x3  }
0x97: {  	_ =	strace s4  }
0x98: {  	_ =	strace $0x8FFFFFFF  }
0x99: {  	s19 =	sld [smem:$0x3FDB];
	_ =	sdelay $0x1  }
0x9a: {  	s5 =	simm.s32 $_scs_section_size  }
0x9b: {  	s6 =	simm.s32 $_size__tile_overlayer_lowered;
	s7 =	simm.s32 $_tile_overlayer_lowered  }
0x9c: {  	s22 =	simm.s32 $0x1BFF;
	s21 =	sshll.u32 s7, $0x1;
	s4 =	sadd.s32 s5, s19  }
0x9d: {  	s8 =	simm.s32 $0x0;
	s20 =	sshll.u32 s6, $0x1;
	s6 =	sadd.s32 s21, s4  }
0x9e: {  	[timem:s8], [sflag:s22] =	dma.local [hbm:s6], s20  }
0x9f: {  	_ =	swait.ge [sflag:s22], s20  }
0xa0: {  	s5 =	ssub.s32 $0x0, s20;
	[sflag:s22] =	ssyncset.done $0x0  }
0xa1: {  	[sflag:s22] =	ssyncadd.s32 s5;
	_ =	sdelay $0x1  }
0xa2: {  	s23 =	simm.s32 $0x1B8B  }
0xa3: {  	_ =	swait.ge [sflag:s23], $0x1  }
0xa4: {  	[sflag:s23] =	ssyncset.done $0x0  }
0xa5: {  	s25 =	simm.s32 $0x1B8E;
	s24 =	sld [smem:$0x3FFE];
	[sflag:s23] =	ssyncadd.s32 $0xFFFFFFFF  }
0xa6: {  	s26 =	simm.s32 $execute0_lowered;
	[smem:$0x3FD2] =	sst s25  }
0xa7: {  	s6 =	sshll.u32 s26, $0x1;
	_ =	strace $0x80000046;
	[dreg:$0x1] =	wrdreg $0xFFFFFFFF  }
0xa8: {  	s28 =	simm.s32 $_size_execute0_lowered;
	s4 =	sadd.s32 s4, s6;
	[dreg:$0x0] =	wrdreg $0x0  }
0xa9: {  	s6 =	sshll.u32 s28, $0x1;
	[dreg:$0x2] =	wrdreg s4  }
0xaa: {  	[dreg:$0x3] =	wrdreg s6  }
0xab: {  	[dreg:$0x4] =	wrdreg $0xC0  }
0xac: {  	_ =	task [dreg:s8], $0x5FFFF  }
0xad: {  	[dreg:$0x1] =	wrdreg $0xFFFFFFFF  }
0xae: {  	[dreg:$0x0] =	wrdreg $0x60  }
0xaf: {  	[dreg:$0x2] =	wrdreg s2  }
0xb0: {  	[dreg:$0x3] =	wrdreg s18  }
0xb1: {  	[dreg:$0x4] =	wrdreg s24  }
0xb2: {  	[dreg:$0x5] =	wrdreg $0xBB800  }
0xb3: {  	[dreg:$0x6] =	wrdreg $0x1FB800  }
0xb4: {  	[dreg:$0x7] =	wrdreg $0x9  }
0xb5: {  	_ =	task.clear_ibuf [dreg:s8], $0x8FFFF;
	_ =	strace $0x90000046  }
0xb6: {  	s29 =	simm.s32 $0x9;
	_ =	strace $0x80000048  }
0xb7: {  	_ =	swait.ge [sflag:s29], $0x1  }
0xb8: {  	[sflag:s29] =	ssyncadd.s32 $0xFFFFFFFF  }
0xb9: {  	_ =	strace $0x90000048  }
0xba: {  	_ =	sfence  }
0xbb: {  	s30 =	sld [smem:$0x0];
	_ =	sdelay $0x2  }
0xbc: {  	s31 =	sshll.u32 s1, $0xD;
	s1 =	sshrl.u32 s1, $0x2  }
0xbd: {  	s3 =	sand.u32 $0x4000, s31;
	s1 =	sadd.s32 s1, s30  }
0xbe: {  	s0 =	sor.u32 s3, s0;
	s1 =	sshll.u32 s1, $0x11  }
0xbf: {  	s0 =	sor.u32 s1, s0  }
0xc0: {  	s0 =	sadd.s32 $0x8F2B, s0  }
0xc1: {  	[sflag:s0] =	ssyncadd.remote.s32 $0x1  }
0xc2: {  	_ =	sfence.sel $0xFFFF  }
0xc3: {  	[dreg:$0x0] =	wrdreg $0xFFFFFFFF;
	(pc) =	sbr.abs _section_cstart, $3  }
0xc4: {  	[dreg:$0x1] =	wrdreg $0xFFFFFFFF  }
0xc5: {  	_ =	task.clear_ibuf [dreg:s8], $0x2FFFF;
	_ =	strace $0x9FFFFFFF  }
0xc6: {  	(tm) =	ssettm $0x7FFFFFFF  }
0xc7: {  	_ =	shalt  }
tec
execute0_lowered:
.L_overlay_start_1:
0x0: {  	(tag) =	ssettag $0x1  }
0x1: {  	s1 =	rddreg [dreg:$0x0]  }
0x2: {  	s0 =	rddreg [dreg:$0x1]  }
0x3: {  	s2 =	rddreg [dreg:$0x2]  }
0x4: {  	s3 =	rddreg [dreg:$0x3];
	s14 =	stileid.u32  }
0x5: {  	s5 =	srdreg.scid;
	s4 =	rddreg [dreg:$0x4];
	s28 =	simm.s32 $0x4  }
0x6: {  	s29 =	simm.s32 $0x3;
	s30 =	simm.s32 $0x5;
	s6 =	smul.u32 $0x280, s14  }
0x7: {  	s31 =	simm.s32 $0x6;
	s7 =	sand.u32 $0x1, s5;
	s9 =	smul.u32 $0x14000, s14  }
0x8: {  	s5 =	simm.s32 $0x0;
	s12 =	sadd.s32 $0x2200, s2;
	s13 =	smul.u32 $0x50000, s14  }
0x9: {  	s15 =	sadd.s32 $0x1A00, s2;
	s19 =	sshll.u32 s14, $0x1;
	s8 =	smul.u32 $0x140000, s7  }
0xa: {  	s24 =	sshll.u32 s14, $0x6;
	[smem:$0x7FF] =	sst s5;
	s11 =	smul.u32 $0x2800, s7  }
0xb: {  	s20 =	ssub.s32 $0x2, s7;
	s7 =	sor.u32 s7, s19;
	s19 =	simm.s32 $0x2780  }
0xc: {  	_ =	strace $0x80000047;
	s10 =	sshrl.u32 s6, $0x3;
	[dreg:$0x6] =	wrdreg s12  }
0xd: {  	[dreg:$0x7] =	wrdreg s15;
	s21 =	sshrl.u32 s20, $0x1;
	s7 =	smul.u32 $0x2710, s7  }
0xe: {  	s23 =	sshrl.u32 s13, $0x2;
	s10 =	sadd.s32 s10, s2;
	s8 =	sadd.s32 s9, s8  }
0xf: {  	s16 =	sadd.s32 s6, s11;
	s22 =	ssub.s32 s20, s21;
	s15 =	sadd.s32 s23, s3  }
0x10: {  	s6 =	sadd.s32 s6, s4;
	s20 =	simm.s32 $0x48;
	s21 =	simm.s32 $0x4F00  }
0x11: {  	s23 =	simm.s32 $0x40;
	s9 =	simm.s32 $0x0;
	s8 =	sshrl.u32 s8, $0x3  }
0x12: {  	s18 =	sshrl.u32 s16, $0x3;
	s7 =	sshrl.u32 s7, $0x3;
	s10 =	sadd.s32 $0x1C00, s10  }
0x13: {  	s14 =	smax.u32 s22, $0x1;
	s15 =	sshrl.u32 s15, $0x3;
	s16 =	simm.s32 $0xA  }
0x14: {  	s22 =	simm.s32 $0x7300;
	s17 =	sadd.s32 s8, s2;
	s2 =	sadd.s32 s18, s2  }
0x15: {  	s8 =	sor.u32 $0x1C0A, s24;
	[dreg:$0x8] =	wrdreg s10;
	s10 =	sadd.s32 s0, s7  }
0x16: {  	s18 =	simm.s32 $0xBB00;
	s24 =	simm.s32 $0x9700;
	s0 =	sadd.s32 $0x9C40, s10  }
0x17: {  	s7 =	simm.s32 $0x7;
	s25 =	sadd.s32 $0x4A00, s17;
	[dreg:$0x9] =	wrdreg s0  }
0x18: {  	s26 =	sadd.s32 $0x54A00, s2;
	s17 =	sshrl.u32 s6, $0x3;
	[dreg:$0xa] =	wrdreg s25  }
0x19: {  	s2 =	simm.s32 $0x4DC0;
	s6 =	simm.s32 $0x4E50;
	[dreg:$0xb] =	wrdreg s26  }
0x1a: {  	s25 =	simm.s32 $0x1;
	s26 =	simm.s32 $0x2;
	s0 =	simm.s32 $0x4E08  }
.LBB2_1:
0x1b: {  	s11 =	rddreg [dreg:$0x6]  }
0x1c: {  	[spmem:s15], [sflag:s8] =	dma.local [hbm:s11], $0x2800  }
0x1d: {  	_ =	swait.ge [sflag:s16], $0x2800  }
0x1e: {  	[sflag:s16] =	ssyncset.done $0x0  }
0x1f: {  	s13 =	rddreg [dreg:$0x8];
	[sflag:s16] =	ssyncadd.s32 $0xFFFFD800  }
0x20: {  	[spmem:s17], [sflag:s8] =	dma.local [hbm:s13], $0x50  }
0x21: {  	_ =	swait.ge [sflag:s16], $0x50  }
0x22: {  	[sflag:s16] =	ssyncset.done $0x0  }
0x23: {  	s12 =	rddreg [dreg:$0x7];
	[sflag:s16] =	ssyncadd.s32 $0xFFFFFFB0  }
0x24: {  	[tilespmem:s18], [sflag:$0xA] =	stream.linear.gather [hbm4b:s12+s5], $0x80, $0x38;
	[tilespmem:$0x1FE00] =	vst v63  }
0x25: {  	_ =	swait.ge [sflag:s16], $0x80  }
0x26: {  	[sflag:s16] =	ssyncset.done $0x0  }
0x27: {  	[sflag:s16] =	ssyncadd.s32 $0xFFFFFF80  }
0x28: {  	[tilespmem:s5], [sflag:$0xA] =	stream.linear.gather [hbm4b:s10+s5], $0x2710, $0x38;
	[tilespmem:$0x1FE00] =	vst v63  }
0x29: {  	_ =	swait.ge [sflag:s16], $0x2710  }
0x2a: {  	[sflag:s16] =	ssyncset.done $0x0  }
0x2b: {  	s13 =	rddreg [dreg:$0x9];
	[sflag:s16] =	ssyncadd.s32 $0xFFFFD8F0  }
0x2c: {  	[tilespmem:s19], [sflag:$0xA] =	stream.linear.gather [hbm4b:s13+s5], $0x2710, $0x38;
	[tilespmem:$0x1FE00] =	vst v63  }
0x2d: {  	_ =	swait.ge [sflag:s16], $0x2710  }
0x2e: {  	[sflag:s16] =	ssyncset.done $0x0  }
0x2f: {  	[sflag:s16] =	ssyncadd.s32 $0xFFFFD8F0  }
0x30: {  	[bflag:$0x0] =	sbarrier.arrive $0xFFFF  }
0x31: {  	[tilespmem:s21], [sflag:$0x1] =	stream.indirect.gather [hbm4b:s1+s20], $0x80, s5, s20, $0xb8;
	[tilespmem:$0x1FE00] =	vst v63  }
0x32: {  	_ = 	snop  }
0x33: {  	[tilespmem:s22], [sflag:$0x2] =	stream.indirect.gather [hbm4b:s1+s20], $0x80, s20, s20, $0xb8;
	[tilespmem:$0x1FE00] =	vst v63  }
0x34: {  	s12 =	simm.s32 $0x90  }
0x35: {  	[tilespmem:s24], [sflag:$0x3] =	stream.indirect.gather [hbm4b:s1+s20], $0x80, s12, s20, $0xb8;
	[tilespmem:$0x1FE00] =	vst v63  }
0x36: {  	_ =	swait.ge [sflag:s25], $0x2400  }
0x37: {  	[sflag:s25] =	ssyncset.done $0x0  }
0x38: {  	[sflag:s25] =	ssyncadd.s32 $0xFFFFDC00  }
0x39: {  	[spmem:s3] =	stream.indirect.scatter.add.f32 [tilespmem:s21], [sflag:$0x4], $0x80, s19, s20, $0xb8;
	[tilespmem:$0x1FE00] =	vst v63  }
0x3a: {  	_ = 	snop  }
0x3b: {  	[spmem:s4] =	stream.indirect.scatter.add.f32 [tilespmem:s18], [sflag:$0x7], $0x1, s19, s20, $0xb8;
	[tilespmem:$0x1FE00] =	vst v63  }
0x3c: {  	_ =	swait.ge [sflag:s26], $0x2400  }
0x3d: {  	[sflag:s26] =	ssyncset.done $0x0  }
0x3e: {  	s13 =	simm.s32 $0x27C8;
	[sflag:s26] =	ssyncadd.s32 $0xFFFFDC00  }
0x3f: {  	[spmem:s3] =	stream.indirect.scatter.add.f32 [tilespmem:s22], [sflag:$0x5], $0x80, s13, s20, $0xb8;
	[tilespmem:$0x1FE00] =	vst v63  }
0x40: {  	_ = 	snop  }
0x41: {  	[spmem:s4] =	stream.indirect.scatter.add.f32 [tilespmem:s18], [sflag:$0x7], $0x1, s13, s20, $0xb8;
	[tilespmem:$0x1FE00] =	vst v63  }
0x42: {  	_ =	swait.ge [sflag:s28], $0x2400  }
0x43: {  	[sflag:s28] =	ssyncset.done $0x0  }
0x44: {  	s12 =	simm.s32 $0xD8;
	[sflag:s28] =	ssyncadd.s32 $0xFFFFDC00  }
0x45: {  	[tilespmem:s21], [sflag:$0x1] =	stream.indirect.gather [hbm4b:s1+s20], $0x80, s12, s20, $0xb8;
	[tilespmem:$0x1FE00] =	vst v63  }
0x46: {  	_ =	swait.ge [sflag:s29], $0x2400  }
0x47: {  	[sflag:s29] =	ssyncset.done $0x0  }
0x48: {  	s13 =	simm.s32 $0x2810;
	[sflag:s29] =	ssyncadd.s32 $0xFFFFDC00  }
0x49: {  	[spmem:s3] =	stream.indirect.scatter.add.f32 [tilespmem:s24], [sflag:$0x6], $0x80, s13, s20, $0xb8;
	[tilespmem:$0x1FE00] =	vst v63  }
0x4a: {  	_ = 	snop  }
0x4b: {  	[spmem:s4] =	stream.indirect.scatter.add.f32 [tilespmem:s18], [sflag:$0x7], $0x1, s13, s20, $0xb8;
	[tilespmem:$0x1FE00] =	vst v63  }
0x4c: {  	_ =	swait.ge [sflag:s30], $0x2400  }
0x4d: {  	[sflag:s30] =	ssyncset.done $0x0  }
0x4e: {  	s12 =	simm.s32 $0x120;
	[sflag:s30] =	ssyncadd.s32 $0xFFFFDC00  }
0x4f: {  	[tilespmem:s22], [sflag:$0x2] =	stream.indirect.gather [hbm4b:s1+s20], $0x80, s12, s20, $0xb8;
	[tilespmem:$0x1FE00] =	vst v63  }
0x50: {  	_ =	swait.ge [sflag:s25], $0x2400  }
0x51: {  	[sflag:s25] =	ssyncset.done $0x0  }
0x52: {  	s13 =	simm.s32 $0x2858;
	[sflag:s25] =	ssyncadd.s32 $0xFFFFDC00  }
0x53: {  	[spmem:s3] =	stream.indirect.scatter.add.f32 [tilespmem:s21], [sflag:$0x4], $0x80, s13, s20, $0xb8;
	[tilespmem:$0x1FE00] =	vst v63  }
0x54: {  	_ = 	snop  }
0x55: {  	[spmem:s4] =	stream.indirect.scatter.add.f32 [tilespmem:s18], [sflag:$0x7], $0x1, s13, s20, $0xb8;
	[tilespmem:$0x1FE00] =	vst v63  }
0x56: {  	_ =	swait.ge [sflag:s31], $0x2400  }
0x57: {  	[sflag:s31] =	ssyncset.done $0x0  }
0x58: {  	s11 =	simm.s32 $0x360;
	s12 =	simm.s32 $0x168;
	[sflag:s31] =	ssyncadd.s32 $0xFFFFDC00  }
.LBB2_2:
0x59: {  	[tilespmem:s24], [sflag:$0x3] =	stream.indirect.gather [hbm4b:s1+s20], $0x80, s12, s20, $0xb8;
	[tilespmem:$0x1FE00] =	vst v63  }
0x5a: {  	s12 =	smov.u32 s11  }
0x5b: {  	p0 =	sne.s32 s11, $0x9480;
	s11 =	sadd.s32 $0x360, s11;
	_ =	swait.ge [sflag:s26], $0x2400  }
0x5c: {  	s12 =	sshra.s32 s12, $0x2;
	[sflag:s26] =	ssyncset.done $0x0  }
0x5d: {  	s13 =	sadd.s32 $0x27C8, s12;
	[sflag:s26] =	ssyncadd.s32 $0xFFFFDC00  }
0x5e: {  	[spmem:s3] =	stream.indirect.scatter.add.f32 [tilespmem:s22], [sflag:$0x5], $0x80, s13, s20, $0xb8;
	[tilespmem:$0x1FE00] =	vst v63  }
0x5f: {  	_ = 	snop  }
0x60: {  	[spmem:s4] =	stream.indirect.scatter.add.f32 [tilespmem:s18], [sflag:$0x7], $0x1, s13, s20, $0xb8;
	[tilespmem:$0x1FE00] =	vst v63  }
0x61: {  	_ =	swait.ge [sflag:s28], $0x2400  }
0x62: {  	[sflag:s28] =	ssyncset.done $0x0  }
0x63: {  	s13 =	sadd.s32 $0xD8, s12;
	[sflag:s28] =	ssyncadd.s32 $0xFFFFDC00  }
0x64: {  	[tilespmem:s21], [sflag:$0x1] =	stream.indirect.gather [hbm4b:s1+s20], $0x80, s13, s20, $0xb8;
	[tilespmem:$0x1FE00] =	vst v63  }
0x65: {  	_ =	swait.ge [sflag:s29], $0x2400  }
0x66: {  	[sflag:s29] =	ssyncset.done $0x0  }
0x67: {  	s13 =	sadd.s32 $0x2810, s12;
	[sflag:s29] =	ssyncadd.s32 $0xFFFFDC00  }
0x68: {  	[spmem:s3] =	stream.indirect.scatter.add.f32 [tilespmem:s24], [sflag:$0x6], $0x80, s13, s20, $0xb8;
	[tilespmem:$0x1FE00] =	vst v63  }
0x69: {  	_ = 	snop  }
0x6a: {  	[spmem:s4] =	stream.indirect.scatter.add.f32 [tilespmem:s18], [sflag:$0x7], $0x1, s13, s20, $0xb8;
	[tilespmem:$0x1FE00] =	vst v63  }
0x6b: {  	_ =	swait.ge [sflag:s30], $0x2400  }
0x6c: {  	[sflag:s30] =	ssyncset.done $0x0  }
0x6d: {  	s13 =	sadd.s32 $0x120, s12;
	[sflag:s30] =	ssyncadd.s32 $0xFFFFDC00  }
0x6e: {  	[tilespmem:s22], [sflag:$0x2] =	stream.indirect.gather [hbm4b:s1+s20], $0x80, s13, s20, $0xb8;
	[tilespmem:$0x1FE00] =	vst v63  }
0x6f: {  	_ =	swait.ge [sflag:s25], $0x2400  }
0x70: {  	[sflag:s25] =	ssyncset.done $0x0  }
0x71: {  	s13 =	sadd.s32 $0x2858, s12;
	[sflag:s25] =	ssyncadd.s32 $0xFFFFDC00  }
0x72: {  	[spmem:s3] =	stream.indirect.scatter.add.f32 [tilespmem:s21], [sflag:$0x4], $0x80, s13, s20, $0xb8;
	[tilespmem:$0x1FE00] =	vst v63  }
.Ltmp0:
0x73: {  	(pc) =	sbr.rel @p0 .LBB2_2-.Ltmp0, $4  }
0x74: {  	[spmem:s4] =	stream.indirect.scatter.add.f32 [tilespmem:s18], [sflag:$0x7], $0x1, s13, s20, $0xb8;
	[tilespmem:$0x1FE00] =	vst v63  }
0x75: {  	_ =	swait.ge [sflag:s31], $0x2400  }
0x76: {  	[sflag:s31] =	ssyncset.done $0x0  }
0x77: {  	s12 =	sadd.s32 $0x168, s12;
	[sflag:s31] =	ssyncadd.s32 $0xFFFFDC00  }
0x78: {  	[tilespmem:s24], [sflag:$0x3] =	stream.indirect.gather [hbm4b:s1+s20], $0x80, s12, s20, $0xb8;
	[tilespmem:$0x1FE00] =	vst v63  }
0x79: {  	_ =	swait.ge [sflag:s26], $0x2400  }
0x7a: {  	[sflag:s26] =	ssyncset.done $0x0  }
0x7b: {  	[sflag:s26] =	ssyncadd.s32 $0xFFFFDC00  }
0x7c: {  	[spmem:s3] =	stream.indirect.scatter.add.f32 [tilespmem:s22], [sflag:$0x5], $0x80, s2, s20, $0xb8;
	[tilespmem:$0x1FE00] =	vst v63  }
0x7d: {  	_ = 	snop  }
0x7e: {  	[spmem:s4] =	stream.indirect.scatter.add.f32 [tilespmem:s18], [sflag:$0x7], $0x1, s2, s20, $0xb8;
	[tilespmem:$0x1FE00] =	vst v63  }
0x7f: {  	_ =	swait.ge [sflag:s28], $0x2400  }
0x80: {  	[sflag:s28] =	ssyncset.done $0x0  }
0x81: {  	[sflag:s28] =	ssyncadd.s32 $0xFFFFDC00  }
0x82: {  	_ =	swait.ge [sflag:s29], $0x2400  }
0x83: {  	[sflag:s29] =	ssyncset.done $0x0  }
0x84: {  	[sflag:s29] =	ssyncadd.s32 $0xFFFFDC00  }
0x85: {  	[spmem:s3] =	stream.indirect.scatter.add.f32 [tilespmem:s24], [sflag:$0x6], $0x80, s0, s20, $0xb8;
	[tilespmem:$0x1FE00] =	vst v63  }
0x86: {  	_ = 	snop  }
0x87: {  	[spmem:s4] =	stream.indirect.scatter.add.f32 [tilespmem:s18], [sflag:$0x7], $0x1, s0, s20, $0xb8;
	[tilespmem:$0x1FE00] =	vst v63  }
0x88: {  	_ =	swait.ge [sflag:s30], $0x2400  }
0x89: {  	[sflag:s30] =	ssyncset.done $0x0  }
0x8a: {  	[sflag:s30] =	ssyncadd.s32 $0xFFFFDC00  }
0x8b: {  	_ =	swait.ge [sflag:s31], $0x2400  }
0x8c: {  	[sflag:s31] =	ssyncset.done $0x0  }
0x8d: {  	s11 =	simm.s32 $0x26D0;
	[sflag:s31] =	ssyncadd.s32 $0xFFFFDC00  }
0x8e: {  	[tilespmem:s21], [sflag:$0x1] =	stream.indirect.gather [hbm4b:s1+s23], $0x80, s11, s23, $0xb8;
	[tilespmem:$0x1FE00] =	vst v63  }
0x8f: {  	_ =	swait.ge [sflag:s25], $0x2000  }
0x90: {  	[sflag:s25] =	ssyncset.done $0x0  }
0x91: {  	[sflag:s25] =	ssyncadd.s32 $0xFFFFE000  }
0x92: {  	[spmem:s3] =	stream.indirect.scatter.add.f32 [tilespmem:s21], [sflag:$0xA], $0x80, s6, s23, $0xb8;
	[tilespmem:$0x1FE00] =	vst v63  }
0x93: {  	_ =	swait.ge [sflag:s16], $0x2000  }
0x94: {  	[sflag:s16] =	ssyncset.done $0x0  }
0x95: {  	[sflag:s16] =	ssyncadd.s32 $0xFFFFE000  }
0x96: {  	[spmem:s4] =	stream.indirect.scatter.add.f32 [tilespmem:s18], [sflag:$0xA], $0x1, s6, s23, $0xb8;
	[tilespmem:$0x1FE00] =	vst v63  }
0x97: {  	_ =	swait.ge [sflag:s16], $0x40  }
0x98: {  	[sflag:s16] =	ssyncset.done $0x0  }
0x99: {  	[sflag:s16] =	ssyncadd.s32 $0xFFFFFFC0  }
0x9a: {  	_ =	swait.ge [sflag:s7], $0x48  }
0x9b: {  	s11 =	simm.s32 $0x89;
	[sflag:s7] =	ssyncset.done $0x0  }
.LBB2_4:
0x9c: {  	p0 =	sne.s32 s11, $0x1;
	s11 =	sadd.s32 $0xFFFFFFFF, s11;
	[sflag:s7] =	ssyncadd.s32 $0xFFFFFFB8  }
.Ltmp1:
0x9d: {  	(pc) =	sbr.rel @p0 .LBB2_4-.Ltmp1, $3  }
0x9e: {  	_ =	sdelay $0x1  }
0x9f: {  	_ =	swait.ge [sflag:s7], $0x48  }
0xa0: {  	[sflag:s7] =	ssyncset.done $0x0  }
0xa1: {  	[sflag:s7] =	ssyncadd.s32 $0xFFFFFFB8  }
0xa2: {  	[bflag:$0x0] =	sbarrier.arrive $0xFFFF  }
0xa3: {  	s11 =	rddreg [dreg:$0xa]  }
0xa4: {  	[hbm:s11], [sflag:s8] =	dma.local [spmem:s15], $0x2800  }
0xa5: {  	s9 =	sadd.s32 $0x1, s9;
	_ =	swait.ge [sflag:s16], $0x2800  }
0xa6: {  	p0 =	sne.s32 s9, s14;
	[sflag:s16] =	ssyncset.done $0x0  }
.Ltmp2:
0xa7: {  	s13 =	rddreg [dreg:$0xb];
	[sflag:s16] =	ssyncadd.s32 $0xFFFFD800;
	(pc) =	sbr.rel @p0 .LBB2_1-.Ltmp2, $4  }
0xa8: {  	[hbm:s13], [sflag:s8] =	dma.local [spmem:s17], $0x50  }
0xa9: {  	_ =	swait.ge [sflag:s16], $0x50  }
0xaa: {  	[sflag:s16] =	ssyncset.done $0x0  }
0xab: {  	[sflag:s16] =	ssyncadd.s32 $0xFFFFFFB0  }
0xac: {  	_ =	sfence.sel $0x180000  }
0xad: {  	[bflag:$0x0] =	sbarrier.arrive $0xFFFF  }
0xae: {  	_ =	strace $0x90000047  }
0xaf: {  	s0 =	stileid.u32;
	[bflag:$0x2] =	sbarrier.arrive $0xFFFF  }
0xb0: {  	p0 =	sne.s32 s0, $0x0;
	s0 =	rddreg [dreg:$0x5]  }
0xb1: {  	s0 =	sadd.s32 @!p0 $0x100000, s0  }
0xb2: {  	[sflag:s0] =	ssyncadd.tile.s32 @!p0 $0x1;
	_ =	shalt  }
.Lfunc_end2:
_tile_overlayer_lowered:
.L_overlay_start_2:
0xb3: {  	(tag) =	ssettag $0x2  }
0xb4: {  	s0 =	rddreg [dreg:$0x0];
	s2 =	stileid.u32  }
0xb5: {  	s1 =	rddreg [dreg:$0x1];
	p0 =	sne.s32 s2, $0x0  }
0xb6: {  	s3 =	rddreg [dreg:$0x2];
	[bflag:$0x3] =	sbarrier.arrive $0xFFFF;
	s2 =	simm.s32 @!p0 $0x1C0A  }
0xb7: {  	[timem:s3], [sflag:s2] =	dma.local @!p0 [hbm:s0], s1  }
0xb8: {  	s0 =	simm.s32 @!p0 $0xA  }
0xb9: {  	_ =	swait.ge @!p0 [sflag:s0], s1  }
0xba: {  	s1 =	ssub.s32 @!p0 $0x0, s1;
	[sflag:s0] =	ssyncset.done @!p0 $0x0  }
0xbb: {  	[sflag:s0] =	ssyncadd.s32 @!p0 s1  }
0xbc: {  	[bflag:$0x3] =	sbarrier.arrive $0xFFFF  }
0xbd: {  	_ =	shalt  }

</sc_bundles>
